<compile_context>
chip_gen: v7x
topology: tpu7x:2x2x1
jax: 0.10.2.dev20260603
libtpu: 0.0.44.dev20260713+nightly
codegen_flags: <defaults>
</compile_context>

<pallas_src>
import functools

import jax
import jax.numpy as jnp
from jax import lax
from jax.experimental import pallas as pl
from jax.experimental.pallas import tpu as pltpu
from jax.experimental.pallas import tpu_sc as plsc

_BT = 1024

_NC = 2
_NS = 16
_NW = _NC * _NS
_CHUNK = 16


def _scores_body(x_ref, w1_ref, b1_ref, w2_ref, b2_ref, idx_ref):
    x = x_ref[...]
    h = jnp.dot(x, w1_ref[...], preferred_element_type=jnp.float32)
    h = jnp.maximum(h + b1_ref[...], 0.0)
    s = jnp.dot(h, w2_ref[...], preferred_element_type=jnp.float32) + b2_ref[...]
    num_e = s.shape[1]
    m = jnp.max(s, axis=1, keepdims=True)
    ii = lax.broadcasted_iota(jnp.int32, s.shape, 1)
    idx_ref[...] = jnp.min(jnp.where(s == m, ii, num_e), axis=1)


def _tc_indices(flat, W1, b1, W2, b2):
    N, H = flat.shape
    RH = W1.shape[1]
    E = W2.shape[1]
    return pl.pallas_call(
        _scores_body,
        grid=(N // _BT,),
        in_specs=[
            pl.BlockSpec((_BT, H), lambda i: (i, 0)),
            pl.BlockSpec((H, RH), lambda i: (0, 0)),
            pl.BlockSpec((1, RH), lambda i: (0, 0)),
            pl.BlockSpec((RH, E), lambda i: (0, 0)),
            pl.BlockSpec((1, E), lambda i: (0, 0)),
        ],
        out_specs=pl.BlockSpec((_BT,), lambda i: (i,)),
        out_shape=jax.ShapeDtypeStruct((N,), jnp.int32),
    )(flat, W1, b1.reshape(1, RH), W2, b2.reshape(1, E))


def _affine_body(x_hbm, idx_hbm, es_hbm, eb_hbm, out_hbm,
                 idx_v, x_v, es_v, out_v, sem_es, sem_eb):
    wid = lax.axis_index("s") * _NC + lax.axis_index("c")
    n_tok = x_hbm.shape[0]
    tok_per_w = n_tok // _NW
    base = wid * tok_per_w
    n_chunks = tok_per_w // _CHUNK
    n_cols = x_hbm.shape[1] // 16

    def chunk_body(c, carry):
        t0 = base + c * _CHUNK
        pltpu.sync_copy(idx_hbm.at[pl.ds(t0, _CHUNK)], idx_v)
        eb_cp = pltpu.async_copy(eb_hbm.at[idx_v], out_v, sem_eb)
        es_cp = pltpu.async_copy(es_hbm.at[idx_v], es_v, sem_es)
        pltpu.sync_copy(x_hbm.at[pl.ds(t0, _CHUNK), :], x_v)
        eb_cp.wait()
        es_cp.wait()

        def col_body(j, carry2):
            for t in range(_CHUNK):
                sl = (t, pl.ds(j * 16, 16))
                out_v[sl] = out_v[sl] + x_v[sl] * es_v[sl]
            return carry2

        lax.fori_loop(0, n_cols, col_body, 0, unroll=False)
        pltpu.sync_copy(out_v, out_hbm.at[pl.ds(t0, _CHUNK), :])
        return carry

    lax.fori_loop(0, n_chunks, chunk_body, 0, unroll=False)


def _sc_affine(flat, idx, expert_scales, expert_biases):
    N, H = flat.shape
    mesh = plsc.VectorSubcoreMesh(core_axis_name="c", subcore_axis_name="s")
    kern = functools.partial(
        pl.kernel, mesh=mesh,
        out_type=jax.ShapeDtypeStruct((N, H), jnp.float32),
        scratch_types=[
            pltpu.VMEM((_CHUNK,), jnp.int32),
            pltpu.VMEM((_CHUNK, H), jnp.float32),
            pltpu.VMEM((_CHUNK, H), jnp.float32),
            pltpu.VMEM((_CHUNK, H), jnp.float32),
            pltpu.SemaphoreType.DMA,
            pltpu.SemaphoreType.DMA,
        ],
    )(_affine_body)
    return kern(flat, idx, expert_scales, expert_biases)


def kernel(hidden_states, W1, b1, W2, b2, Wc, bc, Wg1, bg1, Wg2, bg2,
           expert_scales, expert_biases):
    B, S, H = hidden_states.shape
    N = B * S
    flat = hidden_states.reshape(N, H)
    idx = _tc_indices(flat, W1, b1, W2, b2)
    out = _sc_affine(flat, idx, expert_scales, expert_biases)
    return out.reshape(B, S, H)

# --- scband reference (transcript-rebuilt; emitter-appended) ---
"""Pipeline reference for scband-token-level-router-33071248179911 (READ-ONLY COPY).

The authoritative reference and input builder live on the scoring server;
editing this copy changes nothing except your own understanding.
"""

import jax, jax.numpy as jnp
import numpy as np


def setup_inputs(seed: int = 0) -> dict:
    key = jax.random.key(seed)
    ks = jax.random.split(key, 8)
    B, S, H = 4, 4096, 2048
    RH = H // 2  # router_hidden_size = 1024
    E = 16       # num_experts
    T = 4        # len(expert_types)

    def init(k, shape, fan_in):
        return jax.random.normal(k, shape, dtype=jnp.float32) * (1.0 / np.sqrt(fan_in))

    return {
        "hidden_states": jax.random.normal(ks[0], (B, S, H), dtype=jnp.float32),
        # router_network: Linear(H, RH) -> ReLU -> Dropout(eval=identity) -> Linear(RH, E)
        "W1": init(ks[1], (H, RH), H),
        "b1": jnp.zeros((RH,), dtype=jnp.float32),
        "W2": init(ks[2], (RH, E), RH),
        "b2": jnp.zeros((E,), dtype=jnp.float32),
        # expert_type_classifier: Linear(H, T)
        "Wc": init(ks[3], (H, T), H),
        "bc": jnp.zeros((T,), dtype=jnp.float32),
        # gate_network: Linear(H, RH) -> Tanh -> Linear(RH, 1) -> Sigmoid
        "Wg1": init(ks[4], (H, RH), H),
        "bg1": jnp.zeros((RH,), dtype=jnp.float32),
        "Wg2": init(ks[5], (RH, 1), RH),
        "bg2": jnp.zeros((1,), dtype=jnp.float32),
        # per-expert affine params (torch draws randn in forward; materialized here deterministically)
        "expert_scales": jax.random.normal(ks[6], (E, H), dtype=jnp.float32),
        "expert_biases": jax.random.normal(ks[7], (E, H), dtype=jnp.float32),
    }


def reference(hidden_states, W1, b1, W2, b2, Wc, bc, Wg1, bg1, Wg2, bg2, expert_scales, expert_biases):
    B, S, H = hidden_states.shape
    E = expert_scales.shape[0]
    temperature = 1.0

    flat = hidden_states.reshape(-1, H)

    # router_network (dropout is identity in eval mode)
    h = jnp.maximum(flat @ W1 + b1, 0.0)
    routing_scores = h @ W2 + b2
    routing_scores = routing_scores / temperature

    # expert_type_classifier (computed in torch forward regardless of use)
    expert_type_logits = flat @ Wc + bc
    expert_type_probs = jax.nn.softmax(expert_type_logits, axis=-1)

    # gating
    g = jnp.tanh(flat @ Wg1 + bg1)
    gate_scores = jax.nn.sigmoid(g @ Wg2 + bg2)
    routing_scores = routing_scores * gate_scores

    expert_probs = jax.nn.softmax(routing_scores, axis=-1)
    top_expert_scores, top_expert_indices = jax.lax.top_k(expert_probs, 1)

    # _apply_expert_routing: one-hot dispatch to per-expert affine transform
    expert_weights = jax.nn.one_hot(top_expert_indices[:, 0], E, dtype=jnp.float32)
    weighted_scales = expert_weights @ expert_scales
    weighted_biases = expert_weights @ expert_biases
    routed_hidden = flat * weighted_scales + weighted_biases

    return routed_hidden.reshape(B, S, H)

if __name__ == "__main__":
    import jax
    _d = setup_inputs()
    print(jax.jit(kernel)(*tuple(_d.values())))

</pallas_src>

<mosaic_0001>
#map = affine_map<(d0, d1) -> (0, 0)>
#map1 = affine_map<(d0, d1) -> (0)>
module attributes {stable_mosaic.version = 14 : i64} {
  func.func @_affine_body(%arg0: i32, %arg1: i32, %arg2: memref<16384x2048xf32, #tpu.memory_space<hbm>>, %arg3: memref<16384xi32, #tpu.memory_space<hbm>>, %arg4: memref<16x2048xf32, #tpu.memory_space<hbm>>, %arg5: memref<16x2048xf32, #tpu.memory_space<hbm>>, %arg6: memref<16384x2048xf32, #tpu.memory_space<hbm>>, %arg7: memref<16xi32, #tpu.memory_space<vmem>>, %arg8: memref<16x2048xf32, #tpu.memory_space<vmem>>, %arg9: memref<16x2048xf32, #tpu.memory_space<vmem>>, %arg10: memref<16x2048xf32, #tpu.memory_space<vmem>>, %arg11: memref<!tpu.dma_semaphore, #tpu.memory_space<semaphore_mem>>, %arg12: memref<!tpu.dma_semaphore, #tpu.memory_space<semaphore_mem>>) attributes {dimension_semantics = [#tpu.dimension_semantics<core_parallel>, #tpu.dimension_semantics<subcore_parallel>], iteration_bounds = array<i64: 2, 16>, scalar_prefetch = 0 : i64, scratch_operands = 6 : i64, tpu.core_type = #tpu.core_type<sc_vector_subcore>, window_params = [{transform_indices = #map}, {transform_indices = #map1}, {transform_indices = #map}, {transform_indices = #map}, {transform_indices = #map}]} {
    %mul3A = arith.constant 2 : i32
    %mul3A_0 = arith.muli %arg1, %mul3A : i32
    %add3A = arith.addi %mul3A_0, %arg0 : i32
    %mul3A_1 = arith.constant 512 : i32
    %mul3A_2 = arith.muli %add3A, %mul3A_1 : i32
    %scan3A = arith.constant 0 : i32
    %scan3A_3 = arith.constant 0 : i32
    %scan3A_4 = arith.constant 32 : i32
    %scan3A_5 = arith.addi %scan3A_3, %scan3A_4 : i32
    %scan3A_6 = arith.constant 1 : i32
    scf.for %scan3A_8 = %scan3A_3 to %scan3A_5 step %scan3A_6  : i32 {
      %mul3A_9 = arith.constant 16 : i32
      %mul3A_10 = arith.muli %scan3A_8, %mul3A_9 : i32
      %add3A_11 = arith.addi %mul3A_2, %mul3A_10 : i32
      "tpu.region"() ({
        %run_scoped3A = tpu.sem_alloc : memref<!tpu.dma_semaphore, #tpu.memory_space<semaphore_mem>>
        %dma_start3A_28 = tpu.memref_slice %arg3[%add3A_11] : memref<16384xi32, #tpu.memory_space<hbm>> -> memref<16xi32, #tpu.memory_space<hbm>>
        %dma_start3A_29 = tpu.memref_slice %arg3[%add3A_11] : memref<16384xi32, #tpu.memory_space<hbm>> -> memref<16xi32, #tpu.memory_space<hbm>>
        tpu.enqueue_dma source(%dma_start3A_29 : memref<16xi32, #tpu.memory_space<hbm>>) target(%arg7 : memref<16xi32, #tpu.memory_space<vmem>>) target_semaphore(%run_scoped3A : memref<!tpu.dma_semaphore, #tpu.memory_space<semaphore_mem>>)
        %dma_wait3A_30 = tpu.memref_slice %arg3[%add3A_11] : memref<16384xi32, #tpu.memory_space<hbm>> -> memref<16xi32, #tpu.memory_space<hbm>>
        %dma_wait3A_31 = tpu.memref_slice %arg3[%add3A_11] : memref<16384xi32, #tpu.memory_space<hbm>> -> memref<16xi32, #tpu.memory_space<hbm>>
        tpu.wait_dma2 semaphore(%run_scoped3A : memref<!tpu.dma_semaphore, #tpu.memory_space<semaphore_mem>>) src(%dma_wait3A_31 : memref<16xi32, #tpu.memory_space<hbm>>) dst(%arg7 : memref<16xi32, #tpu.memory_space<vmem>>)
        tpu.yield
      }) : () -> ()
      %dma_start3A = arith.constant 0 : i32
      %dma_start3A_12 = arith.constant 0 : i32
      %dma_start3A_13 = tpu.memref_slice %arg5[%dma_start3A, %dma_start3A_12] : memref<16x2048xf32, #tpu.memory_space<hbm>> -> memref<16x2048xf32, #tpu.memory_space<hbm>>
      tpu.enqueue_indirect_dma source(%dma_start3A_13 : memref<16x2048xf32, #tpu.memory_space<hbm>>) target(%arg10 : memref<16x2048xf32, #tpu.memory_space<vmem>>) offsets(%arg7 : memref<16xi32, #tpu.memory_space<vmem>>) semaphore(%arg12 : memref<!tpu.dma_semaphore, #tpu.memory_space<semaphore_mem>>)
      %dma_start3A_14 = arith.constant 0 : i32
      %dma_start3A_15 = arith.constant 0 : i32
      %dma_start3A_16 = tpu.memref_slice %arg4[%dma_start3A_14, %dma_start3A_15] : memref<16x2048xf32, #tpu.memory_space<hbm>> -> memref<16x2048xf32, #tpu.memory_space<hbm>>
      tpu.enqueue_indirect_dma source(%dma_start3A_16 : memref<16x2048xf32, #tpu.memory_space<hbm>>) target(%arg9 : memref<16x2048xf32, #tpu.memory_space<vmem>>) offsets(%arg7 : memref<16xi32, #tpu.memory_space<vmem>>) semaphore(%arg11 : memref<!tpu.dma_semaphore, #tpu.memory_space<semaphore_mem>>)
      "tpu.region"() ({
        %run_scoped3A = tpu.sem_alloc : memref<!tpu.dma_semaphore, #tpu.memory_space<semaphore_mem>>
        %dma_start3A_28 = arith.constant 0 : i32
        %dma_start3A_29 = tpu.memref_slice %arg2[%add3A_11, %dma_start3A_28] : memref<16384x2048xf32, #tpu.memory_space<hbm>> -> memref<16x2048xf32, #tpu.memory_space<hbm>>
        %dma_start3A_30 = arith.constant 0 : i32
        %dma_start3A_31 = tpu.memref_slice %arg2[%add3A_11, %dma_start3A_30] : memref<16384x2048xf32, #tpu.memory_space<hbm>> -> memref<16x2048xf32, #tpu.memory_space<hbm>>
        tpu.enqueue_dma source(%dma_start3A_31 : memref<16x2048xf32, #tpu.memory_space<hbm>>) target(%arg8 : memref<16x2048xf32, #tpu.memory_space<vmem>>) target_semaphore(%run_scoped3A : memref<!tpu.dma_semaphore, #tpu.memory_space<semaphore_mem>>)
        %dma_wait3A_32 = arith.constant 0 : i32
        %dma_wait3A_33 = tpu.memref_slice %arg2[%add3A_11, %dma_wait3A_32] : memref<16384x2048xf32, #tpu.memory_space<hbm>> -> memref<16x2048xf32, #tpu.memory_space<hbm>>
        %dma_wait3A_34 = arith.constant 0 : i32
        %dma_wait3A_35 = tpu.memref_slice %arg2[%add3A_11, %dma_wait3A_34] : memref<16384x2048xf32, #tpu.memory_space<hbm>> -> memref<16x2048xf32, #tpu.memory_space<hbm>>
        tpu.wait_dma2 semaphore(%run_scoped3A : memref<!tpu.dma_semaphore, #tpu.memory_space<semaphore_mem>>) src(%dma_wait3A_35 : memref<16x2048xf32, #tpu.memory_space<hbm>>) dst(%arg8 : memref<16x2048xf32, #tpu.memory_space<vmem>>)
        tpu.yield
      }) : () -> ()
      %dma_wait3A = arith.constant 0 : i32
      %dma_wait3A_17 = arith.constant 0 : i32
      %dma_wait3A_18 = tpu.memref_slice %arg5[%dma_wait3A, %dma_wait3A_17] : memref<16x2048xf32, #tpu.memory_space<hbm>> -> memref<16x2048xf32, #tpu.memory_space<hbm>>
      tpu.wait_indirect_dma semaphore(%arg12 : memref<!tpu.dma_semaphore, #tpu.memory_space<semaphore_mem>>) src(%dma_wait3A_18 : memref<16x2048xf32, #tpu.memory_space<hbm>>) dst(%arg10 : memref<16x2048xf32, #tpu.memory_space<vmem>>)
      %dma_wait3A_19 = arith.constant 0 : i32
      %dma_wait3A_20 = arith.constant 0 : i32
      %dma_wait3A_21 = tpu.memref_slice %arg4[%dma_wait3A_19, %dma_wait3A_20] : memref<16x2048xf32, #tpu.memory_space<hbm>> -> memref<16x2048xf32, #tpu.memory_space<hbm>>
      tpu.wait_indirect_dma semaphore(%arg11 : memref<!tpu.dma_semaphore, #tpu.memory_space<semaphore_mem>>) src(%dma_wait3A_21 : memref<16x2048xf32, #tpu.memory_space<hbm>>) dst(%arg9 : memref<16x2048xf32, #tpu.memory_space<vmem>>)
      %scan3A_22 = arith.constant 0 : i32
      %scan3A_23 = arith.constant 0 : i32
      %scan3A_24 = arith.constant 128 : i32
      %scan3A_25 = arith.addi %scan3A_23, %scan3A_24 : i32
      %scan3A_26 = arith.constant 1 : i32
      scf.for %scan3A_28 = %scan3A_23 to %scan3A_25 step %scan3A_26  : i32 {
        %mul3A_29 = arith.constant 16 : i32
        %mul3A_30 = arith.muli %scan3A_28, %mul3A_29 : i32
        %get3A = arith.constant 0 : i32
        %get3A_31 = arith.index_cast %get3A : i32 to index
        %get3A_32 = arith.index_cast %mul3A_30 : i32 to index
        %get3A_33 = tpu.vector_load %arg10[%get3A_31, %get3A_32] {strides = array<i32>} : memref<16x2048xf32, #tpu.memory_space<vmem>>, vector<1x16xf32>,
        %get3A_34 = vector.shape_cast %get3A_33 : vector<1x16xf32> to vector<16xf32>
        %get3A_35 = arith.constant 0 : i32
        %get3A_36 = arith.index_cast %get3A_35 : i32 to index
        %get3A_37 = arith.index_cast %mul3A_30 : i32 to index
        %get3A_38 = tpu.vector_load %arg8[%get3A_36, %get3A_37] {strides = array<i32>} : memref<16x2048xf32, #tpu.memory_space<vmem>>, vector<1x16xf32>,
        %get3A_39 = vector.shape_cast %get3A_38 : vector<1x16xf32> to vector<16xf32>
        %get3A_40 = arith.constant 0 : i32
        %get3A_41 = arith.index_cast %get3A_40 : i32 to index
        %get3A_42 = arith.index_cast %mul3A_30 : i32 to index
        %get3A_43 = tpu.vector_load %arg9[%get3A_41, %get3A_42] {strides = array<i32>} : memref<16x2048xf32, #tpu.memory_space<vmem>>, vector<1x16xf32>,
        %get3A_44 = vector.shape_cast %get3A_43 : vector<1x16xf32> to vector<16xf32>
        %mul3A_45 = arith.mulf %get3A_39, %get3A_44 : vector<16xf32>
        %add3A_46 = arith.addf %get3A_34, %mul3A_45 : vector<16xf32>
        %swap3A = arith.constant 0 : i32
        %swap3A_47 = arith.index_cast %swap3A : i32 to index
        %swap3A_48 = arith.index_cast %mul3A_30 : i32 to index
        %swap3A_49 = tpu.vector_load %arg10[%swap3A_47, %swap3A_48] {strides = array<i32>} : memref<16x2048xf32, #tpu.memory_space<vmem>>, vector<1x16xf32>,
        %swap3A_50 = vector.shape_cast %swap3A_49 : vector<1x16xf32> to vector<16xf32>
        %swap3A_51 = vector.shape_cast %add3A_46 : vector<16xf32> to vector<1x16xf32>
        tpu.vector_store %arg10[%swap3A_47, %swap3A_48], %swap3A_51 {strides = array<i32>} : memref<16x2048xf32, #tpu.memory_space<vmem>>, vector<1x16xf32>,
        %mul3A_52 = arith.constant 16 : i32
        %mul3A_53 = arith.muli %scan3A_28, %mul3A_52 : i32
        %get3A_54 = arith.constant 1 : i32
        %get3A_55 = arith.index_cast %get3A_54 : i32 to index
        %get3A_56 = arith.index_cast %mul3A_53 : i32 to index
        %get3A_57 = tpu.vector_load %arg10[%get3A_55, %get3A_56] {strides = array<i32>} : memref<16x2048xf32, #tpu.memory_space<vmem>>, vector<1x16xf32>,
        %get3A_58 = vector.shape_cast %get3A_57 : vector<1x16xf32> to vector<16xf32>
        %get3A_59 = arith.constant 1 : i32
        %get3A_60 = arith.index_cast %get3A_59 : i32 to index
        %get3A_61 = arith.index_cast %mul3A_53 : i32 to index
        %get3A_62 = tpu.vector_load %arg8[%get3A_60, %get3A_61] {strides = array<i32>} : memref<16x2048xf32, #tpu.memory_space<vmem>>, vector<1x16xf32>,
        %get3A_63 = vector.shape_cast %get3A_62 : vector<1x16xf32> to vector<16xf32>
        %get3A_64 = arith.constant 1 : i32
        %get3A_65 = arith.index_cast %get3A_64 : i32 to index
        %get3A_66 = arith.index_cast %mul3A_53 : i32 to index
        %get3A_67 = tpu.vector_load %arg9[%get3A_65, %get3A_66] {strides = array<i32>} : memref<16x2048xf32, #tpu.memory_space<vmem>>, vector<1x16xf32>,
        %get3A_68 = vector.shape_cast %get3A_67 : vector<1x16xf32> to vector<16xf32>
        %mul3A_69 = arith.mulf %get3A_63, %get3A_68 : vector<16xf32>
        %add3A_70 = arith.addf %get3A_58, %mul3A_69 : vector<16xf32>
        %swap3A_71 = arith.constant 1 : i32
        %swap3A_72 = arith.index_cast %swap3A_71 : i32 to index
        %swap3A_73 = arith.index_cast %mul3A_53 : i32 to index
        %swap3A_74 = tpu.vector_load %arg10[%swap3A_72, %swap3A_73] {strides = array<i32>} : memref<16x2048xf32, #tpu.memory_space<vmem>>, vector<1x16xf32>,
        %swap3A_75 = vector.shape_cast %swap3A_74 : vector<1x16xf32> to vector<16xf32>
        %swap3A_76 = vector.shape_cast %add3A_70 : vector<16xf32> to vector<1x16xf32>
        tpu.vector_store %arg10[%swap3A_72, %swap3A_73], %swap3A_76 {strides = array<i32>} : memref<16x2048xf32, #tpu.memory_space<vmem>>, vector<1x16xf32>,
        %mul3A_77 = arith.constant 16 : i32
        %mul3A_78 = arith.muli %scan3A_28, %mul3A_77 : i32
        %get3A_79 = arith.constant 2 : i32
        %get3A_80 = arith.index_cast %get3A_79 : i32 to index
        %get3A_81 = arith.index_cast %mul3A_78 : i32 to index
        %get3A_82 = tpu.vector_load %arg10[%get3A_80, %get3A_81] {strides = array<i32>} : memref<16x2048xf32, #tpu.memory_space<vmem>>, vector<1x16xf32>,
        %get3A_83 = vector.shape_cast %get3A_82 : vector<1x16xf32> to vector<16xf32>
        %get3A_84 = arith.constant 2 : i32
        %get3A_85 = arith.index_cast %get3A_84 : i32 to index
        %get3A_86 = arith.index_cast %mul3A_78 : i32 to index
        %get3A_87 = tpu.vector_load %arg8[%get3A_85, %get3A_86] {strides = array<i32>} : memref<16x2048xf32, #tpu.memory_space<vmem>>, vector<1x16xf32>,
        %get3A_88 = vector.shape_cast %get3A_87 : vector<1x16xf32> to vector<16xf32>
        %get3A_89 = arith.constant 2 : i32
        %get3A_90 = arith.index_cast %get3A_89 : i32 to index
        %get3A_91 = arith.index_cast %mul3A_78 : i32 to index
        %get3A_92 = tpu.vector_load %arg9[%get3A_90, %get3A_91] {strides = array<i32>} : memref<16x2048xf32, #tpu.memory_space<vmem>>, vector<1x16xf32>,
        %get3A_93 = vector.shape_cast %get3A_92 : vector<1x16xf32> to vector<16xf32>
        %mul3A_94 = arith.mulf %get3A_88, %get3A_93 : vector<16xf32>
        %add3A_95 = arith.addf %get3A_83, %mul3A_94 : vector<16xf32>
        %swap3A_96 = arith.constant 2 : i32
        %swap3A_97 = arith.index_cast %swap3A_96 : i32 to index
        %swap3A_98 = arith.index_cast %mul3A_78 : i32 to index
        %swap3A_99 = tpu.vector_load %arg10[%swap3A_97, %swap3A_98] {strides = array<i32>} : memref<16x2048xf32, #tpu.memory_space<vmem>>, vector<1x16xf32>,
        %swap3A_100 = vector.shape_cast %swap3A_99 : vector<1x16xf32> to vector<16xf32>
        %swap3A_101 = vector.shape_cast %add3A_95 : vector<16xf32> to vector<1x16xf32>
        tpu.vector_store %arg10[%swap3A_97, %swap3A_98], %swap3A_101 {strides = array<i32>} : memref<16x2048xf32, #tpu.memory_space<vmem>>, vector<1x16xf32>,
        %mul3A_102 = arith.constant 16 : i32
        %mul3A_103 = arith.muli %scan3A_28, %mul3A_102 : i32
        %get3A_104 = arith.constant 3 : i32
        %get3A_105 = arith.index_cast %get3A_104 : i32 to index
        %get3A_106 = arith.index_cast %mul3A_103 : i32 to index
        %get3A_107 = tpu.vector_load %arg10[%get3A_105, %get3A_106] {strides = array<i32>} : memref<16x2048xf32, #tpu.memory_space<vmem>>, vector<1x16xf32>,
        %get3A_108 = vector.shape_cast %get3A_107 : vector<1x16xf32> to vector<16xf32>
        %get3A_109 = arith.constant 3 : i32
        %get3A_110 = arith.index_cast %get3A_109 : i32 to index
        %get3A_111 = arith.index_cast %mul3A_103 : i32 to index
        %get3A_112 = tpu.vector_load %arg8[%get3A_110, %get3A_111] {strides = array<i32>} : memref<16x2048xf32, #tpu.memory_space<vmem>>, vector<1x16xf32>,
        %get3A_113 = vector.shape_cast %get3A_112 : vector<1x16xf32> to vector<16xf32>
        %get3A_114 = arith.constant 3 : i32
        %get3A_115 = arith.index_cast %get3A_114 : i32 to index
        %get3A_116 = arith.index_cast %mul3A_103 : i32 to index
        %get3A_117 = tpu.vector_load %arg9[%get3A_115, %get3A_116] {strides = array<i32>} : memref<16x2048xf32, #tpu.memory_space<vmem>>, vector<1x16xf32>,
        %get3A_118 = vector.shape_cast %get3A_117 : vector<1x16xf32> to vector<16xf32>
        %mul3A_119 = arith.mulf %get3A_113, %get3A_118 : vector<16xf32>
        %add3A_120 = arith.addf %get3A_108, %mul3A_119 : vector<16xf32>
        %swap3A_121 = arith.constant 3 : i32
        %swap3A_122 = arith.index_cast %swap3A_121 : i32 to index
        %swap3A_123 = arith.index_cast %mul3A_103 : i32 to index
        %swap3A_124 = tpu.vector_load %arg10[%swap3A_122, %swap3A_123] {strides = array<i32>} : memref<16x2048xf32, #tpu.memory_space<vmem>>, vector<1x16xf32>,
        %swap3A_125 = vector.shape_cast %swap3A_124 : vector<1x16xf32> to vector<16xf32>
        %swap3A_126 = vector.shape_cast %add3A_120 : vector<16xf32> to vector<1x16xf32>
        tpu.vector_store %arg10[%swap3A_122, %swap3A_123], %swap3A_126 {strides = array<i32>} : memref<16x2048xf32, #tpu.memory_space<vmem>>, vector<1x16xf32>,
        %mul3A_127 = arith.constant 16 : i32
        %mul3A_128 = arith.muli %scan3A_28, %mul3A_127 : i32
        %get3A_129 = arith.constant 4 : i32
        %get3A_130 = arith.index_cast %get3A_129 : i32 to index
        %get3A_131 = arith.index_cast %mul3A_128 : i32 to index
        %get3A_132 = tpu.vector_load %arg10[%get3A_130, %get3A_131] {strides = array<i32>} : memref<16x2048xf32, #tpu.memory_space<vmem>>, vector<1x16xf32>,
        %get3A_133 = vector.shape_cast %get3A_132 : vector<1x16xf32> to vector<16xf32>
        %get3A_134 = arith.constant 4 : i32
        %get3A_135 = arith.index_cast %get3A_134 : i32 to index
        %get3A_136 = arith.index_cast %mul3A_128 : i32 to index
        %get3A_137 = tpu.vector_load %arg8[%get3A_135, %get3A_136] {strides = array<i32>} : memref<16x2048xf32, #tpu.memory_space<vmem>>, vector<1x16xf32>,
        %get3A_138 = vector.shape_cast %get3A_137 : vector<1x16xf32> to vector<16xf32>
        %get3A_139 = arith.constant 4 : i32
        %get3A_140 = arith.index_cast %get3A_139 : i32 to index
        %get3A_141 = arith.index_cast %mul3A_128 : i32 to index
        %get3A_142 = tpu.vector_load %arg9[%get3A_140, %get3A_141] {strides = array<i32>} : memref<16x2048xf32, #tpu.memory_space<vmem>>, vector<1x16xf32>,
        %get3A_143 = vector.shape_cast %get3A_142 : vector<1x16xf32> to vector<16xf32>
        %mul3A_144 = arith.mulf %get3A_138, %get3A_143 : vector<16xf32>
        %add3A_145 = arith.addf %get3A_133, %mul3A_144 : vector<16xf32>
        %swap3A_146 = arith.constant 4 : i32
        %swap3A_147 = arith.index_cast %swap3A_146 : i32 to index
        %swap3A_148 = arith.index_cast %mul3A_128 : i32 to index
        %swap3A_149 = tpu.vector_load %arg10[%swap3A_147, %swap3A_148] {strides = array<i32>} : memref<16x2048xf32, #tpu.memory_space<vmem>>, vector<1x16xf32>,
        %swap3A_150 = vector.shape_cast %swap3A_149 : vector<1x16xf32> to vector<16xf32>
        %swap3A_151 = vector.shape_cast %add3A_145 : vector<16xf32> to vector<1x16xf32>
        tpu.vector_store %arg10[%swap3A_147, %swap3A_148], %swap3A_151 {strides = array<i32>} : memref<16x2048xf32, #tpu.memory_space<vmem>>, vector<1x16xf32>,
        %mul3A_152 = arith.constant 16 : i32
        %mul3A_153 = arith.muli %scan3A_28, %mul3A_152 : i32
        %get3A_154 = arith.constant 5 : i32
        %get3A_155 = arith.index_cast %get3A_154 : i32 to index
        %get3A_156 = arith.index_cast %mul3A_153 : i32 to index
        %get3A_157 = tpu.vector_load %arg10[%get3A_155, %get3A_156] {strides = array<i32>} : memref<16x2048xf32, #tpu.memory_space<vmem>>, vector<1x16xf32>,
        %get3A_158 = vector.shape_cast %get3A_157 : vector<1x16xf32> to vector<16xf32>
        %get3A_159 = arith.constant 5 : i32
        %get3A_160 = arith.index_cast %get3A_159 : i32 to index
        %get3A_161 = arith.index_cast %mul3A_153 : i32 to index
        %get3A_162 = tpu.vector_load %arg8[%get3A_160, %get3A_161] {strides = array<i32>} : memref<16x2048xf32, #tpu.memory_space<vmem>>, vector<1x16xf32>,
        %get3A_163 = vector.shape_cast %get3A_162 : vector<1x16xf32> to vector<16xf32>
        %get3A_164 = arith.constant 5 : i32
        %get3A_165 = arith.index_cast %get3A_164 : i32 to index
        %get3A_166 = arith.index_cast %mul3A_153 : i32 to index
        %get3A_167 = tpu.vector_load %arg9[%get3A_165, %get3A_166] {strides = array<i32>} : memref<16x2048xf32, #tpu.memory_space<vmem>>, vector<1x16xf32>,
        %get3A_168 = vector.shape_cast %get3A_167 : vector<1x16xf32> to vector<16xf32>
        %mul3A_169 = arith.mulf %get3A_163, %get3A_168 : vector<16xf32>
        %add3A_170 = arith.addf %get3A_158, %mul3A_169 : vector<16xf32>
        %swap3A_171 = arith.constant 5 : i32
        %swap3A_172 = arith.index_cast %swap3A_171 : i32 to index
        %swap3A_173 = arith.index_cast %mul3A_153 : i32 to index
        %swap3A_174 = tpu.vector_load %arg10[%swap3A_172, %swap3A_173] {strides = array<i32>} : memref<16x2048xf32, #tpu.memory_space<vmem>>, vector<1x16xf32>,
        %swap3A_175 = vector.shape_cast %swap3A_174 : vector<1x16xf32> to vector<16xf32>
        %swap3A_176 = vector.shape_cast %add3A_170 : vector<16xf32> to vector<1x16xf32>
        tpu.vector_store %arg10[%swap3A_172, %swap3A_173], %swap3A_176 {strides = array<i32>} : memref<16x2048xf32, #tpu.memory_space<vmem>>, vector<1x16xf32>,
        %mul3A_177 = arith.constant 16 : i32
        %mul3A_178 = arith.muli %scan3A_28, %mul3A_177 : i32
        %get3A_179 = arith.constant 6 : i32
        %get3A_180 = arith.index_cast %get3A_179 : i32 to index
        %get3A_181 = arith.index_cast %mul3A_178 : i32 to index
        %get3A_182 = tpu.vector_load %arg10[%get3A_180, %get3A_181] {strides = array<i32>} : memref<16x2048xf32, #tpu.memory_space<vmem>>, vector<1x16xf32>,
        %get3A_183 = vector.shape_cast %get3A_182 : vector<1x16xf32> to vector<16xf32>
        %get3A_184 = arith.constant 6 : i32
        %get3A_185 = arith.index_cast %get3A_184 : i32 to index
        %get3A_186 = arith.index_cast %mul3A_178 : i32 to index
        %get3A_187 = tpu.vector_load %arg8[%get3A_185, %get3A_186] {strides = array<i32>} : memref<16x2048xf32, #tpu.memory_space<vmem>>, vector<1x16xf32>,
        %get3A_188 = vector.shape_cast %get3A_187 : vector<1x16xf32> to vector<16xf32>
        %get3A_189 = arith.constant 6 : i32
        %get3A_190 = arith.index_cast %get3A_189 : i32 to index
        %get3A_191 = arith.index_cast %mul3A_178 : i32 to index
        %get3A_192 = tpu.vector_load %arg9[%get3A_190, %get3A_191] {strides = array<i32>} : memref<16x2048xf32, #tpu.memory_space<vmem>>, vector<1x16xf32>,
        %get3A_193 = vector.shape_cast %get3A_192 : vector<1x16xf32> to vector<16xf32>
        %mul3A_194 = arith.mulf %get3A_188, %get3A_193 : vector<16xf32>
        %add3A_195 = arith.addf %get3A_183, %mul3A_194 : vector<16xf32>
        %swap3A_196 = arith.constant 6 : i32
        %swap3A_197 = arith.index_cast %swap3A_196 : i32 to index
        %swap3A_198 = arith.index_cast %mul3A_178 : i32 to index
        %swap3A_199 = tpu.vector_load %arg10[%swap3A_197, %swap3A_198] {strides = array<i32>} : memref<16x2048xf32, #tpu.memory_space<vmem>>, vector<1x16xf32>,
        %swap3A_200 = vector.shape_cast %swap3A_199 : vector<1x16xf32> to vector<16xf32>
        %swap3A_201 = vector.shape_cast %add3A_195 : vector<16xf32> to vector<1x16xf32>
        tpu.vector_store %arg10[%swap3A_197, %swap3A_198], %swap3A_201 {strides = array<i32>} : memref<16x2048xf32, #tpu.memory_space<vmem>>, vector<1x16xf32>,
        %mul3A_202 = arith.constant 16 : i32
        %mul3A_203 = arith.muli %scan3A_28, %mul3A_202 : i32
        %get3A_204 = arith.constant 7 : i32
        %get3A_205 = arith.index_cast %get3A_204 : i32 to index
        %get3A_206 = arith.index_cast %mul3A_203 : i32 to index
        %get3A_207 = tpu.vector_load %arg10[%get3A_205, %get3A_206] {strides = array<i32>} : memref<16x2048xf32, #tpu.memory_space<vmem>>, vector<1x16xf32>,
        %get3A_208 = vector.shape_cast %get3A_207 : vector<1x16xf32> to vector<16xf32>
        %get3A_209 = arith.constant 7 : i32
        %get3A_210 = arith.index_cast %get3A_209 : i32 to index
        %get3A_211 = arith.index_cast %mul3A_203 : i32 to index
        %get3A_212 = tpu.vector_load %arg8[%get3A_210, %get3A_211] {strides = array<i32>} : memref<16x2048xf32, #tpu.memory_space<vmem>>, vector<1x16xf32>,
        %get3A_213 = vector.shape_cast %get3A_212 : vector<1x16xf32> to vector<16xf32>
        %get3A_214 = arith.constant 7 : i32
        %get3A_215 = arith.index_cast %get3A_214 : i32 to index
        %get3A_216 = arith.index_cast %mul3A_203 : i32 to index
        %get3A_217 = tpu.vector_load %arg9[%get3A_215, %get3A_216] {strides = array<i32>} : memref<16x2048xf32, #tpu.memory_space<vmem>>, vector<1x16xf32>,
        %get3A_218 = vector.shape_cast %get3A_217 : vector<1x16xf32> to vector<16xf32>
        %mul3A_219 = arith.mulf %get3A_213, %get3A_218 : vector<16xf32>
        %add3A_220 = arith.addf %get3A_208, %mul3A_219 : vector<16xf32>
        %swap3A_221 = arith.constant 7 : i32
        %swap3A_222 = arith.index_cast %swap3A_221 : i32 to index
        %swap3A_223 = arith.index_cast %mul3A_203 : i32 to index
        %swap3A_224 = tpu.vector_load %arg10[%swap3A_222, %swap3A_223] {strides = array<i32>} : memref<16x2048xf32, #tpu.memory_space<vmem>>, vector<1x16xf32>,
        %swap3A_225 = vector.shape_cast %swap3A_224 : vector<1x16xf32> to vector<16xf32>
        %swap3A_226 = vector.shape_cast %add3A_220 : vector<16xf32> to vector<1x16xf32>
        tpu.vector_store %arg10[%swap3A_222, %swap3A_223], %swap3A_226 {strides = array<i32>} : memref<16x2048xf32, #tpu.memory_space<vmem>>, vector<1x16xf32>,
        %mul3A_227 = arith.constant 16 : i32
        %mul3A_228 = arith.muli %scan3A_28, %mul3A_227 : i32
        %get3A_229 = arith.constant 8 : i32
        %get3A_230 = arith.index_cast %get3A_229 : i32 to index
        %get3A_231 = arith.index_cast %mul3A_228 : i32 to index
        %get3A_232 = tpu.vector_load %arg10[%get3A_230, %get3A_231] {strides = array<i32>} : memref<16x2048xf32, #tpu.memory_space<vmem>>, vector<1x16xf32>,
        %get3A_233 = vector.shape_cast %get3A_232 : vector<1x16xf32> to vector<16xf32>
        %get3A_234 = arith.constant 8 : i32
        %get3A_235 = arith.index_cast %get3A_234 : i32 to index
        %get3A_236 = arith.index_cast %mul3A_228 : i32 to index
        %get3A_237 = tpu.vector_load %arg8[%get3A_235, %get3A_236] {strides = array<i32>} : memref<16x2048xf32, #tpu.memory_space<vmem>>, vector<1x16xf32>,
        %get3A_238 = vector.shape_cast %get3A_237 : vector<1x16xf32> to vector<16xf32>
        %get3A_239 = arith.constant 8 : i32
        %get3A_240 = arith.index_cast %get3A_239 : i32 to index
        %get3A_241 = arith.index_cast %mul3A_228 : i32 to index
        %get3A_242 = tpu.vector_load %arg9[%get3A_240, %get3A_241] {strides = array<i32>} : memref<16x2048xf32, #tpu.memory_space<vmem>>, vector<1x16xf32>,
        %get3A_243 = vector.shape_cast %get3A_242 : vector<1x16xf32> to vector<16xf32>
        %mul3A_244 = arith.mulf %get3A_238, %get3A_243 : vector<16xf32>
        %add3A_245 = arith.addf %get3A_233, %mul3A_244 : vector<16xf32>
        %swap3A_246 = arith.constant 8 : i32
        %swap3A_247 = arith.index_cast %swap3A_246 : i32 to index
        %swap3A_248 = arith.index_cast %mul3A_228 : i32 to index
        %swap3A_249 = tpu.vector_load %arg10[%swap3A_247, %swap3A_248] {strides = array<i32>} : memref<16x2048xf32, #tpu.memory_space<vmem>>, vector<1x16xf32>,
        %swap3A_250 = vector.shape_cast %swap3A_249 : vector<1x16xf32> to vector<16xf32>
        %swap3A_251 = vector.shape_cast %add3A_245 : vector<16xf32> to vector<1x16xf32>
        tpu.vector_store %arg10[%swap3A_247, %swap3A_248], %swap3A_251 {strides = array<i32>} : memref<16x2048xf32, #tpu.memory_space<vmem>>, vector<1x16xf32>,
        %mul3A_252 = arith.constant 16 : i32
        %mul3A_253 = arith.muli %scan3A_28, %mul3A_252 : i32
        %get3A_254 = arith.constant 9 : i32
        %get3A_255 = arith.index_cast %get3A_254 : i32 to index
        %get3A_256 = arith.index_cast %mul3A_253 : i32 to index
        %get3A_257 = tpu.vector_load %arg10[%get3A_255, %get3A_256] {strides = array<i32>} : memref<16x2048xf32, #tpu.memory_space<vmem>>, vector<1x16xf32>,
        %get3A_258 = vector.shape_cast %get3A_257 : vector<1x16xf32> to vector<16xf32>
        %get3A_259 = arith.constant 9 : i32
        %get3A_260 = arith.index_cast %get3A_259 : i32 to index
        %get3A_261 = arith.index_cast %mul3A_253 : i32 to index
        %get3A_262 = tpu.vector_load %arg8[%get3A_260, %get3A_261] {strides = array<i32>} : memref<16x2048xf32, #tpu.memory_space<vmem>>, vector<1x16xf32>,
        %get3A_263 = vector.shape_cast %get3A_262 : vector<1x16xf32> to vector<16xf32>
        %get3A_264 = arith.constant 9 : i32
        %get3A_265 = arith.index_cast %get3A_264 : i32 to index
        %get3A_266 = arith.index_cast %mul3A_253 : i32 to index
        %get3A_267 = tpu.vector_load %arg9[%get3A_265, %get3A_266] {strides = array<i32>} : memref<16x2048xf32, #tpu.memory_space<vmem>>, vector<1x16xf32>,
        %get3A_268 = vector.shape_cast %get3A_267 : vector<1x16xf32> to vector<16xf32>
        %mul3A_269 = arith.mulf %get3A_263, %get3A_268 : vector<16xf32>
        %add3A_270 = arith.addf %get3A_258, %mul3A_269 : vector<16xf32>
        %swap3A_271 = arith.constant 9 : i32
        %swap3A_272 = arith.index_cast %swap3A_271 : i32 to index
        %swap3A_273 = arith.index_cast %mul3A_253 : i32 to index
        %swap3A_274 = tpu.vector_load %arg10[%swap3A_272, %swap3A_273] {strides = array<i32>} : memref<16x2048xf32, #tpu.memory_space<vmem>>, vector<1x16xf32>,
        %swap3A_275 = vector.shape_cast %swap3A_274 : vector<1x16xf32> to vector<16xf32>
        %swap3A_276 = vector.shape_cast %add3A_270 : vector<16xf32> to vector<1x16xf32>
        tpu.vector_store %arg10[%swap3A_272, %swap3A_273], %swap3A_276 {strides = array<i32>} : memref<16x2048xf32, #tpu.memory_space<vmem>>, vector<1x16xf32>,
        %mul3A_277 = arith.constant 16 : i32
        %mul3A_278 = arith.muli %scan3A_28, %mul3A_277 : i32
        %get3A_279 = arith.constant 10 : i32
        %get3A_280 = arith.index_cast %get3A_279 : i32 to index
        %get3A_281 = arith.index_cast %mul3A_278 : i32 to index
        %get3A_282 = tpu.vector_load %arg10[%get3A_280, %get3A_281] {strides = array<i32>} : memref<16x2048xf32, #tpu.memory_space<vmem>>, vector<1x16xf32>,
        %get3A_283 = vector.shape_cast %get3A_282 : vector<1x16xf32> to vector<16xf32>
        %get3A_284 = arith.constant 10 : i32
        %get3A_285 = arith.index_cast %get3A_284 : i32 to index
        %get3A_286 = arith.index_cast %mul3A_278 : i32 to index
        %get3A_287 = tpu.vector_load %arg8[%get3A_285, %get3A_286] {strides = array<i32>} : memref<16x2048xf32, #tpu.memory_space<vmem>>, vector<1x16xf32>,
        %get3A_288 = vector.shape_cast %get3A_287 : vector<1x16xf32> to vector<16xf32>
        %get3A_289 = arith.constant 10 : i32
        %get3A_290 = arith.index_cast %get3A_289 : i32 to index
        %get3A_291 = arith.index_cast %mul3A_278 : i32 to index
        %get3A_292 = tpu.vector_load %arg9[%get3A_290, %get3A_291] {strides = array<i32>} : memref<16x2048xf32, #tpu.memory_space<vmem>>, vector<1x16xf32>,
        %get3A_293 = vector.shape_cast %get3A_292 : vector<1x16xf32> to vector<16xf32>
        %mul3A_294 = arith.mulf %get3A_288, %get3A_293 : vector<16xf32>
        %add3A_295 = arith.addf %get3A_283, %mul3A_294 : vector<16xf32>
        %swap3A_296 = arith.constant 10 : i32
        %swap3A_297 = arith.index_cast %swap3A_296 : i32 to index
        %swap3A_298 = arith.index_cast %mul3A_278 : i32 to index
        %swap3A_299 = tpu.vector_load %arg10[%swap3A_297, %swap3A_298] {strides = array<i32>} : memref<16x2048xf32, #tpu.memory_space<vmem>>, vector<1x16xf32>,
        %swap3A_300 = vector.shape_cast %swap3A_299 : vector<1x16xf32> to vector<16xf32>
        %swap3A_301 = vector.shape_cast %add3A_295 : vector<16xf32> to vector<1x16xf32>
        tpu.vector_store %arg10[%swap3A_297, %swap3A_298], %swap3A_301 {strides = array<i32>} : memref<16x2048xf32, #tpu.memory_space<vmem>>, vector<1x16xf32>,
        %mul3A_302 = arith.constant 16 : i32
        %mul3A_303 = arith.muli %scan3A_28, %mul3A_302 : i32
        %get3A_304 = arith.constant 11 : i32
        %get3A_305 = arith.index_cast %get3A_304 : i32 to index
        %get3A_306 = arith.index_cast %mul3A_303 : i32 to index
        %get3A_307 = tpu.vector_load %arg10[%get3A_305, %get3A_306] {strides = array<i32>} : memref<16x2048xf32, #tpu.memory_space<vmem>>, vector<1x16xf32>,
        %get3A_308 = vector.shape_cast %get3A_307 : vector<1x16xf32> to vector<16xf32>
        %get3A_309 = arith.constant 11 : i32
        %get3A_310 = arith.index_cast %get3A_309 : i32 to index
        %get3A_311 = arith.index_cast %mul3A_303 : i32 to index
        %get3A_312 = tpu.vector_load %arg8[%get3A_310, %get3A_311] {strides = array<i32>} : memref<16x2048xf32, #tpu.memory_space<vmem>>, vector<1x16xf32>,
        %get3A_313 = vector.shape_cast %get3A_312 : vector<1x16xf32> to vector<16xf32>
        %get3A_314 = arith.constant 11 : i32
        %get3A_315 = arith.index_cast %get3A_314 : i32 to index
        %get3A_316 = arith.index_cast %mul3A_303 : i32 to index
        %get3A_317 = tpu.vector_load %arg9[%get3A_315, %get3A_316] {strides = array<i32>} : memref<16x2048xf32, #tpu.memory_space<vmem>>, vector<1x16xf32>,
        %get3A_318 = vector.shape_cast %get3A_317 : vector<1x16xf32> to vector<16xf32>
        %mul3A_319 = arith.mulf %get3A_313, %get3A_318 : vector<16xf32>
        %add3A_320 = arith.addf %get3A_308, %mul3A_319 : vector<16xf32>
        %swap3A_321 = arith.constant 11 : i32
        %swap3A_322 = arith.index_cast %swap3A_321 : i32 to index
        %swap3A_323 = arith.index_cast %mul3A_303 : i32 to index
        %swap3A_324 = tpu.vector_load %arg10[%swap3A_322, %swap3A_323] {strides = array<i32>} : memref<16x2048xf32, #tpu.memory_space<vmem>>, vector<1x16xf32>,
        %swap3A_325 = vector.shape_cast %swap3A_324 : vector<1x16xf32> to vector<16xf32>
        %swap3A_326 = vector.shape_cast %add3A_320 : vector<16xf32> to vector<1x16xf32>
        tpu.vector_store %arg10[%swap3A_322, %swap3A_323], %swap3A_326 {strides = array<i32>} : memref<16x2048xf32, #tpu.memory_space<vmem>>, vector<1x16xf32>,
        %mul3A_327 = arith.constant 16 : i32
        %mul3A_328 = arith.muli %scan3A_28, %mul3A_327 : i32
        %get3A_329 = arith.constant 12 : i32
        %get3A_330 = arith.index_cast %get3A_329 : i32 to index
        %get3A_331 = arith.index_cast %mul3A_328 : i32 to index
        %get3A_332 = tpu.vector_load %arg10[%get3A_330, %get3A_331] {strides = array<i32>} : memref<16x2048xf32, #tpu.memory_space<vmem>>, vector<1x16xf32>,
        %get3A_333 = vector.shape_cast %get3A_332 : vector<1x16xf32> to vector<16xf32>
        %get3A_334 = arith.constant 12 : i32
        %get3A_335 = arith.index_cast %get3A_334 : i32 to index
        %get3A_336 = arith.index_cast %mul3A_328 : i32 to index
        %get3A_337 = tpu.vector_load %arg8[%get3A_335, %get3A_336] {strides = array<i32>} : memref<16x2048xf32, #tpu.memory_space<vmem>>, vector<1x16xf32>,
        %get3A_338 = vector.shape_cast %get3A_337 : vector<1x16xf32> to vector<16xf32>
        %get3A_339 = arith.constant 12 : i32
        %get3A_340 = arith.index_cast %get3A_339 : i32 to index
        %get3A_341 = arith.index_cast %mul3A_328 : i32 to index
        %get3A_342 = tpu.vector_load %arg9[%get3A_340, %get3A_341] {strides = array<i32>} : memref<16x2048xf32, #tpu.memory_space<vmem>>, vector<1x16xf32>,
        %get3A_343 = vector.shape_cast %get3A_342 : vector<1x16xf32> to vector<16xf32>
        %mul3A_344 = arith.mulf %get3A_338, %get3A_343 : vector<16xf32>
        %add3A_345 = arith.addf %get3A_333, %mul3A_344 : vector<16xf32>
        %swap3A_346 = arith.constant 12 : i32
        %swap3A_347 = arith.index_cast %swap3A_346 : i32 to index
        %swap3A_348 = arith.index_cast %mul3A_328 : i32 to index
        %swap3A_349 = tpu.vector_load %arg10[%swap3A_347, %swap3A_348] {strides = array<i32>} : memref<16x2048xf32, #tpu.memory_space<vmem>>, vector<1x16xf32>,
        %swap3A_350 = vector.shape_cast %swap3A_349 : vector<1x16xf32> to vector<16xf32>
        %swap3A_351 = vector.shape_cast %add3A_345 : vector<16xf32> to vector<1x16xf32>
        tpu.vector_store %arg10[%swap3A_347, %swap3A_348], %swap3A_351 {strides = array<i32>} : memref<16x2048xf32, #tpu.memory_space<vmem>>, vector<1x16xf32>,
        %mul3A_352 = arith.constant 16 : i32
        %mul3A_353 = arith.muli %scan3A_28, %mul3A_352 : i32
        %get3A_354 = arith.constant 13 : i32
        %get3A_355 = arith.index_cast %get3A_354 : i32 to index
        %get3A_356 = arith.index_cast %mul3A_353 : i32 to index
        %get3A_357 = tpu.vector_load %arg10[%get3A_355, %get3A_356] {strides = array<i32>} : memref<16x2048xf32, #tpu.memory_space<vmem>>, vector<1x16xf32>,
        %get3A_358 = vector.shape_cast %get3A_357 : vector<1x16xf32> to vector<16xf32>
        %get3A_359 = arith.constant 13 : i32
        %get3A_360 = arith.index_cast %get3A_359 : i32 to index
        %get3A_361 = arith.index_cast %mul3A_353 : i32 to index
        %get3A_362 = tpu.vector_load %arg8[%get3A_360, %get3A_361] {strides = array<i32>} : memref<16x2048xf32, #tpu.memory_space<vmem>>, vector<1x16xf32>,
        %get3A_363 = vector.shape_cast %get3A_362 : vector<1x16xf32> to vector<16xf32>
        %get3A_364 = arith.constant 13 : i32
        %get3A_365 = arith.index_cast %get3A_364 : i32 to index
        %get3A_366 = arith.index_cast %mul3A_353 : i32 to index
        %get3A_367 = tpu.vector_load %arg9[%get3A_365, %get3A_366] {strides = array<i32>} : memref<16x2048xf32, #tpu.memory_space<vmem>>, vector<1x16xf32>,
        %get3A_368 = vector.shape_cast %get3A_367 : vector<1x16xf32> to vector<16xf32>
        %mul3A_369 = arith.mulf %get3A_363, %get3A_368 : vector<16xf32>
        %add3A_370 = arith.addf %get3A_358, %mul3A_369 : vector<16xf32>
        %swap3A_371 = arith.constant 13 : i32
        %swap3A_372 = arith.index_cast %swap3A_371 : i32 to index
        %swap3A_373 = arith.index_cast %mul3A_353 : i32 to index
        %swap3A_374 = tpu.vector_load %arg10[%swap3A_372, %swap3A_373] {strides = array<i32>} : memref<16x2048xf32, #tpu.memory_space<vmem>>, vector<1x16xf32>,
        %swap3A_375 = vector.shape_cast %swap3A_374 : vector<1x16xf32> to vector<16xf32>
        %swap3A_376 = vector.shape_cast %add3A_370 : vector<16xf32> to vector<1x16xf32>
        tpu.vector_store %arg10[%swap3A_372, %swap3A_373], %swap3A_376 {strides = array<i32>} : memref<16x2048xf32, #tpu.memory_space<vmem>>, vector<1x16xf32>,
        %mul3A_377 = arith.constant 16 : i32
        %mul3A_378 = arith.muli %scan3A_28, %mul3A_377 : i32
        %get3A_379 = arith.constant 14 : i32
        %get3A_380 = arith.index_cast %get3A_379 : i32 to index
        %get3A_381 = arith.index_cast %mul3A_378 : i32 to index
        %get3A_382 = tpu.vector_load %arg10[%get3A_380, %get3A_381] {strides = array<i32>} : memref<16x2048xf32, #tpu.memory_space<vmem>>, vector<1x16xf32>,
        %get3A_383 = vector.shape_cast %get3A_382 : vector<1x16xf32> to vector<16xf32>
        %get3A_384 = arith.constant 14 : i32
        %get3A_385 = arith.index_cast %get3A_384 : i32 to index
        %get3A_386 = arith.index_cast %mul3A_378 : i32 to index
        %get3A_387 = tpu.vector_load %arg8[%get3A_385, %get3A_386] {strides = array<i32>} : memref<16x2048xf32, #tpu.memory_space<vmem>>, vector<1x16xf32>,
        %get3A_388 = vector.shape_cast %get3A_387 : vector<1x16xf32> to vector<16xf32>
        %get3A_389 = arith.constant 14 : i32
        %get3A_390 = arith.index_cast %get3A_389 : i32 to index
        %get3A_391 = arith.index_cast %mul3A_378 : i32 to index
        %get3A_392 = tpu.vector_load %arg9[%get3A_390, %get3A_391] {strides = array<i32>} : memref<16x2048xf32, #tpu.memory_space<vmem>>, vector<1x16xf32>,
        %get3A_393 = vector.shape_cast %get3A_392 : vector<1x16xf32> to vector<16xf32>
        %mul3A_394 = arith.mulf %get3A_388, %get3A_393 : vector<16xf32>
        %add3A_395 = arith.addf %get3A_383, %mul3A_394 : vector<16xf32>
        %swap3A_396 = arith.constant 14 : i32
        %swap3A_397 = arith.index_cast %swap3A_396 : i32 to index
        %swap3A_398 = arith.index_cast %mul3A_378 : i32 to index
        %swap3A_399 = tpu.vector_load %arg10[%swap3A_397, %swap3A_398] {strides = array<i32>} : memref<16x2048xf32, #tpu.memory_space<vmem>>, vector<1x16xf32>,
        %swap3A_400 = vector.shape_cast %swap3A_399 : vector<1x16xf32> to vector<16xf32>
        %swap3A_401 = vector.shape_cast %add3A_395 : vector<16xf32> to vector<1x16xf32>
        tpu.vector_store %arg10[%swap3A_397, %swap3A_398], %swap3A_401 {strides = array<i32>} : memref<16x2048xf32, #tpu.memory_space<vmem>>, vector<1x16xf32>,
        %mul3A_402 = arith.constant 16 : i32
        %mul3A_403 = arith.muli %scan3A_28, %mul3A_402 : i32
        %get3A_404 = arith.constant 15 : i32
        %get3A_405 = arith.index_cast %get3A_404 : i32 to index
        %get3A_406 = arith.index_cast %mul3A_403 : i32 to index
        %get3A_407 = tpu.vector_load %arg10[%get3A_405, %get3A_406] {strides = array<i32>} : memref<16x2048xf32, #tpu.memory_space<vmem>>, vector<1x16xf32>,
        %get3A_408 = vector.shape_cast %get3A_407 : vector<1x16xf32> to vector<16xf32>
        %get3A_409 = arith.constant 15 : i32
        %get3A_410 = arith.index_cast %get3A_409 : i32 to index
        %get3A_411 = arith.index_cast %mul3A_403 : i32 to index
        %get3A_412 = tpu.vector_load %arg8[%get3A_410, %get3A_411] {strides = array<i32>} : memref<16x2048xf32, #tpu.memory_space<vmem>>, vector<1x16xf32>,
        %get3A_413 = vector.shape_cast %get3A_412 : vector<1x16xf32> to vector<16xf32>
        %get3A_414 = arith.constant 15 : i32
        %get3A_415 = arith.index_cast %get3A_414 : i32 to index
        %get3A_416 = arith.index_cast %mul3A_403 : i32 to index
        %get3A_417 = tpu.vector_load %arg9[%get3A_415, %get3A_416] {strides = array<i32>} : memref<16x2048xf32, #tpu.memory_space<vmem>>, vector<1x16xf32>,
        %get3A_418 = vector.shape_cast %get3A_417 : vector<1x16xf32> to vector<16xf32>
        %mul3A_419 = arith.mulf %get3A_413, %get3A_418 : vector<16xf32>
        %add3A_420 = arith.addf %get3A_408, %mul3A_419 : vector<16xf32>
        %swap3A_421 = arith.constant 15 : i32
        %swap3A_422 = arith.index_cast %swap3A_421 : i32 to index
        %swap3A_423 = arith.index_cast %mul3A_403 : i32 to index
        %swap3A_424 = tpu.vector_load %arg10[%swap3A_422, %swap3A_423] {strides = array<i32>} : memref<16x2048xf32, #tpu.memory_space<vmem>>, vector<1x16xf32>,
        %swap3A_425 = vector.shape_cast %swap3A_424 : vector<1x16xf32> to vector<16xf32>
        %swap3A_426 = vector.shape_cast %add3A_420 : vector<16xf32> to vector<1x16xf32>
        tpu.vector_store %arg10[%swap3A_422, %swap3A_423], %swap3A_426 {strides = array<i32>} : memref<16x2048xf32, #tpu.memory_space<vmem>>, vector<1x16xf32>,
      }
      %scan3A_27 = arith.constant 128 : i32
      "tpu.region"() ({
        %run_scoped3A = tpu.sem_alloc : memref<!tpu.dma_semaphore, #tpu.memory_space<semaphore_mem>>
        %dma_start3A_28 = arith.constant 0 : i32
        %dma_start3A_29 = tpu.memref_slice %arg6[%add3A_11, %dma_start3A_28] : memref<16384x2048xf32, #tpu.memory_space<hbm>> -> memref<16x2048xf32, #tpu.memory_space<hbm>>
        %dma_start3A_30 = arith.constant 0 : i32
        %dma_start3A_31 = tpu.memref_slice %arg6[%add3A_11, %dma_start3A_30] : memref<16384x2048xf32, #tpu.memory_space<hbm>> -> memref<16x2048xf32, #tpu.memory_space<hbm>>
        tpu.enqueue_dma source(%arg10 : memref<16x2048xf32, #tpu.memory_space<vmem>>) target(%dma_start3A_31 : memref<16x2048xf32, #tpu.memory_space<hbm>>) target_semaphore(%run_scoped3A : memref<!tpu.dma_semaphore, #tpu.memory_space<semaphore_mem>>)
        %dma_wait3A_32 = arith.constant 0 : i32
        %dma_wait3A_33 = tpu.memref_slice %arg6[%add3A_11, %dma_wait3A_32] : memref<16384x2048xf32, #tpu.memory_space<hbm>> -> memref<16x2048xf32, #tpu.memory_space<hbm>>
        %dma_wait3A_34 = arith.constant 0 : i32
        %dma_wait3A_35 = tpu.memref_slice %arg6[%add3A_11, %dma_wait3A_34] : memref<16384x2048xf32, #tpu.memory_space<hbm>> -> memref<16x2048xf32, #tpu.memory_space<hbm>>
        tpu.wait_dma2 semaphore(%run_scoped3A : memref<!tpu.dma_semaphore, #tpu.memory_space<semaphore_mem>>) src(%arg10 : memref<16x2048xf32, #tpu.memory_space<vmem>>) dst(%dma_wait3A_35 : memref<16x2048xf32, #tpu.memory_space<hbm>>)
        tpu.yield
      }) : () -> ()
    }
    %scan3A_7 = arith.constant 32 : i32
    return
  }
}

module attributes {stable_mosaic.version = 14 : i64} {
  func.func @_scores_body(%arg0: i32, %arg1: memref<1024x2048xf32, #tpu.memory_space<vmem>>, %arg2: memref<2048x1024xf32, #tpu.memory_space<vmem>>, %arg3: memref<1x1024xf32, #tpu.memory_space<vmem>>, %arg4: memref<1024x16xf32, #tpu.memory_space<vmem>>, %arg5: memref<1x16xf32, #tpu.memory_space<vmem>>, %arg6: memref<1024xi32, #tpu.memory_space<vmem>>) attributes {dimension_semantics = [#tpu.dimension_semantics<arbitrary>], iteration_bounds = array<i64: 16>, scalar_prefetch = 0 : i64, scratch_operands = 0 : i64, tpu.core_type = #tpu.core_type<tc>, window_params = [{transform_indices = @transform_0, window_bounds = array<i64: 1024, 2048>}, {pipeline_mode = #tpu.pipeline_mode<synchronous>, transform_indices = @transform_1, window_bounds = array<i64: 2048, 1024>}, {pipeline_mode = #tpu.pipeline_mode<synchronous>, transform_indices = @transform_2, window_bounds = array<i64: 1, 1024>}, {pipeline_mode = #tpu.pipeline_mode<synchronous>, transform_indices = @transform_3, window_bounds = array<i64: 1024, 16>}, {pipeline_mode = #tpu.pipeline_mode<synchronous>, transform_indices = @transform_4, window_bounds = array<i64: 1, 16>}, {transform_indices = @transform_5, window_bounds = array<i64: 1024>}]} {
    %get3A = arith.constant 0 : index
    %get3A_0 = arith.constant 0 : index
    %get3A_1 = vector.load %arg1[%get3A, %get3A_0] : memref<1024x2048xf32, #tpu.memory_space<vmem>>, vector<1024x2048xf32>
    %get3A_2 = arith.constant 0 : index
    %get3A_3 = arith.constant 0 : index
    %get3A_4 = vector.load %arg2[%get3A_2, %get3A_3] : memref<2048x1024xf32, #tpu.memory_space<vmem>>, vector<2048x1024xf32>
    %dot_general3A = arith.constant dense<0.000000e+00> : vector<1024x1024xf32>
    %dot_general3A_5 = tpu.matmul %get3A_1, %get3A_4, %dot_general3A {dimension_numbers = #tpu.dot_dimension_numbers<[1], [0], [0], [1], [0, 0, 1, 1], [], []>, transpose_lhs_hint = false} : vector<1024x2048xf32>, vector<2048x1024xf32>, vector<1024x1024xf32> -> vector<1024x1024xf32>
    %get3A_6 = arith.constant 0 : index
    %get3A_7 = arith.constant 0 : index
    %get3A_8 = vector.load %arg3[%get3A_6, %get3A_7] : memref<1x1024xf32, #tpu.memory_space<vmem>>, vector<1x1024xf32>
    %add3A = vector.broadcast %get3A_8 : vector<1x1024xf32> to vector<1024x1024xf32>
    %add3A_9 = arith.addf %dot_general3A_5, %add3A : vector<1024x1024xf32>
    %max3A = arith.constant 0.000000e+00 : f32
    %max3A_10 = vector.broadcast %max3A : f32 to vector<1024x1024xf32>
    %max3A_11 = arith.maximumf %add3A_9, %max3A_10 : vector<1024x1024xf32>
    %get3A_12 = arith.constant 0 : index
    %get3A_13 = arith.constant 0 : index
    %get3A_14 = vector.load %arg4[%get3A_12, %get3A_13] : memref<1024x16xf32, #tpu.memory_space<vmem>>, vector<1024x16xf32>
    %dot_general3A_15 = arith.constant dense<0.000000e+00> : vector<1024x16xf32>
    %dot_general3A_16 = tpu.matmul %max3A_11, %get3A_14, %dot_general3A_15 {dimension_numbers = #tpu.dot_dimension_numbers<[1], [0], [0], [1], [0, 0, 1, 1], [], []>, transpose_lhs_hint = false} : vector<1024x1024xf32>, vector<1024x16xf32>, vector<1024x16xf32> -> vector<1024x16xf32>
    %get3A_17 = arith.constant 0 : index
    %get3A_18 = arith.constant 0 : index
    %get3A_19 = vector.load %arg5[%get3A_17, %get3A_18] : memref<1x16xf32, #tpu.memory_space<vmem>>, vector<1x16xf32>
    %add3A_20 = vector.broadcast %get3A_19 : vector<1x16xf32> to vector<1024x16xf32>
    %add3A_21 = arith.addf %dot_general3A_16, %add3A_20 : vector<1024x16xf32>
    %reduce_max3A = arith.constant dense<0xFF800000> : vector<1024xf32>
    %reduce_max3A_22 = vector.multi_reduction <maximumf>, %add3A_21, %reduce_max3A [1] : vector<1024x16xf32> to vector<1024xf32>
    %broadcast_in_dim3A = vector.shape_cast %reduce_max3A_22 : vector<1024xf32> to vector<1024x1xf32>
    %iota3A = tpu.iota {dimensions = array<i32: 1>} : vector<1024x16xi32>
    %eq3A = vector.broadcast %broadcast_in_dim3A : vector<1024x1xf32> to vector<1024x16xf32>
    %eq3A_23 = arith.cmpf oeq, %add3A_21, %eq3A : vector<1024x16xf32>
    %jit3A = arith.constant 16 : i32
    %broadcast_in_dim3A_24 = vector.broadcast %jit3A : i32 to vector<1024x16xi32>
    %select_n3A = arith.select %eq3A_23, %iota3A, %broadcast_in_dim3A_24 : vector<1024x16xi1>, vector<1024x16xi32>
    %reduce_min3A = arith.constant dense<2147483647> : vector<1024xi32>
    %reduce_min3A_25 = vector.multi_reduction <minsi>, %select_n3A, %reduce_min3A [1] : vector<1024x16xi32> to vector<1024xi32>
    %swap3A = arith.constant 0 : index
    %swap3A_26 = vector.load %arg6[%swap3A] : memref<1024xi32, #tpu.memory_space<vmem>>, vector<1024xi32>
    tpu.vector_store %arg6[%swap3A], %reduce_min3A_25 {strides = array<i32>} : memref<1024xi32, #tpu.memory_space<vmem>>, vector<1024xi32>,
    return
  }
  func.func @transform_0(%arg0: i32) -> (i32, i32) {
    %c0_i32 = arith.constant 0 : i32
    %c0_i32_0 = arith.constant 0 : i32
    return %arg0, %c0_i32 : i32, i32
  }
  func.func @transform_1(%arg0: i32) -> (i32, i32) {
    %c0_i32 = arith.constant 0 : i32
    %c0_i32_0 = arith.constant 0 : i32
    %c0_i32_1 = arith.constant 0 : i32
    return %c0_i32, %c0_i32_0 : i32, i32
  }
  func.func @transform_2(%arg0: i32) -> (i32, i32) {
    %c0_i32 = arith.constant 0 : i32
    %c0_i32_0 = arith.constant 0 : i32
    %c0_i32_1 = arith.constant 0 : i32
    return %c0_i32, %c0_i32_0 : i32, i32
  }
  func.func @transform_3(%arg0: i32) -> (i32, i32) {
    %c0_i32 = arith.constant 0 : i32
    %c0_i32_0 = arith.constant 0 : i32
    %c0_i32_1 = arith.constant 0 : i32
    return %c0_i32, %c0_i32_0 : i32, i32
  }
  func.func @transform_4(%arg0: i32) -> (i32, i32) {
    %c0_i32 = arith.constant 0 : i32
    %c0_i32_0 = arith.constant 0 : i32
    %c0_i32_1 = arith.constant 0 : i32
    return %c0_i32, %c0_i32_0 : i32, i32
  }
  func.func @transform_5(%arg0: i32) -> i32 {
    %c0_i32 = arith.constant 0 : i32
    return %arg0 : i32
  }
}

</mosaic_0001>

<sc_bundles>
// kernel: kernel.4.cloned.1.call-start
scs
__scs_entry_jumppad:
0x0: {  	(pc) =	sbr.rel $0x88, $3  }
0x1: {  	(tag) =	ssettag $0x0;
	lr =	simm.s32 $0x1  }
0x2: {  	[smem:$0x3F9A] =	sst lr;
	_ =	strace $0xD0000000  }
0x3: {  	_ = 	snop  }
0x4: {  	_ = 	snop  }
0x5: {  	_ = 	snop  }
0x6: {  	_ = 	snop  }
0x7: {  	_ = 	snop  }
__scs_overlays_trampoline_lowered:
0x8: {  	[smem:$0x3FA9] =	sst s0  }
0x9: {  	[smem:$0x3FAA] =	sst s1  }
0xa: {  	[smem:$0x3FAB] =	sst s2  }
0xb: {  	[smem:$0x3FAC] =	sst s3  }
0xc: {  	[smem:$0x3FAD] =	sst s4  }
0xd: {  	[smem:$0x3FAE] =	sst s5  }
0xe: {  	[smem:$0x3FAF] =	sst s6  }
0xf: {  	[smem:$0x3FB0] =	sst s7  }
0x10: {  	[smem:$0x3FB1] =	sst s8  }
0x11: {  	[smem:$0x3FB2] =	sst s9;
	s0 =	simm.s32 @!p0 $0x0  }
0x12: {  	s1 =	sld [smem:$0x3F98];
	s0 =	simm.s32 @p0 $0x1  }
0x13: {  	[smem:$0x3FB3] =	sst s0;
	s0 =	simm.s32 @!p1 $0x0  }
0x14: {  	s2 =	sld [smem:$0x3F97];
	s0 =	simm.s32 @p1 $0x1  }
0x15: {  	[smem:$0x3FB4] =	sst s0;
	s0 =	simm.s32 @!p2 $0x0  }
0x16: {  	s3 =	sld [smem:$0x3FDB];
	s0 =	simm.s32 @p2 $0x1  }
0x17: {  	s4 =	simm.s32 $0x1BF5;
	[smem:$0x3FB6] =	sst s0  }
0x18: {  	s0 =	sld [smem:$0x3F99];
	_ =	swait.ge [sflag:s4], $0x0  }
0x19: {  	s7 =	sld [smem:$0x3F9A]  }
0x1a: {  	s8 =	sadd.s32 $0xFFFFE003, lr  }
0x1b: {  	s9 =	sadd.s32 $0xFFFFFEF7, lr;
	s5 =	simm.s32 $0xFFFFFFFF;
	p2 =	slt.u32 s8, $0xFFFFF086  }
0x1c: {  	p1 =	slt.u32 s9, $0xF7A;
	s5 =	simm.s32 @!p2 $0x0  }
0x1d: {  	s5 =	simm.s32 @p1 $0x1;
	p0 =	seq.s32 s7, s2  }
0x1e: {  	s7 =	smul.u32 @!p0 $0xF7A, s2;
	p2 =	seq.s32 @!p0 s5, $0x0  }
0x1f: {  	s9 =	smul.u32 $0xF7A, s1;
	s8 =	simm.s32 @!p0 $0x1BF5;
	p2 =	por !p2, p0  }
0x20: {  	[sflag:s8] =	ssyncset.s32 @!p0 $0xFFFFF086;
	s6 =	sadd.s32 @!p0 s3, s7;
	s7 =	simm.s32 @!p0 $0x108  }
0x21: {  	s3 =	sadd.s32 s3, s9;
	s6 =	sadd.s32 @!p0 $0x88, s6;
	s7 =	simm.s32 @p2 $0x1082  }
0x22: {  	[simem:s7], [sflag:s8] =	dma.local @!p0 [hbm:s6], $0xF7A  }
0x23: {  	s9 =	sor.u32 $0xD0000000, s2;
	s6 =	simm.s32 $0x108;
	_ =	swait.ge @!p0 [sflag:s8], $0x0  }
0x24: {  	s3 =	sadd.s32 $0x88, s3;
	s6 =	simm.s32 @!p1 $0x1082;
	[sflag:s4] =	ssyncset.s32 $0xFFFFF086  }
0x25: {  	[simem:s6], [sflag:s4] =	dma.local [hbm:s3], $0xF7A  }
0x26: {  	[smem:$0x3F9A] =	sst s1;
	(tag) =	ssettag s2;
	_ =	strace s9  }
0x27: {  	s1 =	sld [smem:$0x3FAA]  }
0x28: {  	s2 =	sld [smem:$0x3FAB]  }
0x29: {  	s4 =	sld [smem:$0x3FAD]  }
0x2a: {  	p0 =	seq.s32 s5, $0x0;
	s5 =	sld [smem:$0x3FAE]  }
0x2b: {  	s6 =	sld [smem:$0x3FAF]  }
0x2c: {  	s7 =	sld [smem:$0x3FB0]  }
0x2d: {  	s3 =	simm.s32 $0x108;
	s8 =	sld [smem:$0x3FB1]  }
0x2e: {  	s3 =	simm.s32 @!p0 $0x1082;
	s9 =	sld [smem:$0x3FB2]  }
0x2f: {  	lr =	sadd.s32 s0, s3;
	s0 =	sld [smem:$0x3FA9]  }
0x30: {  	s3 =	sld [smem:$0x3FAC]  }
0x31: {  	[smem:$0x3FB5] =	sst s10  }
0x32: {  	s10 =	sld [smem:$0x3FB3];
	_ =	sdelay $0x3  }
0x33: {  	p0 =	seq.s32 s10, $0x1;
	s10 =	sld [smem:$0x3FB5];
	_ =	sdelay $0x3  }
0x34: {  	[smem:$0x3FB5] =	sst s10  }
0x35: {  	s10 =	sld [smem:$0x3FB4];
	_ =	sdelay $0x3  }
0x36: {  	p1 =	seq.s32 s10, $0x1;
	s10 =	sld [smem:$0x3FB5];
	_ =	sdelay $0x3  }
0x37: {  	[smem:$0x3FB5] =	sst s10  }
0x38: {  	s10 =	sld [smem:$0x3FB6]  }
0x39: {  	_ = 	snop;
	(pc) =	sbr.ind lr, $3  }
0x3a: {  	_ = 	snop  }
0x3b: {  	_ = 	snop  }
0x3c: {  	p2 =	seq.s32 s10, $0x1;
	s10 =	sld [smem:$0x3FB5]  }
0x3d: {  	_ =	shalt  }
0x3e: {  	_ =	shalt  }
0x3f: {  	_ =	shalt  }
0x40: {  	_ =	shalt  }
0x41: {  	_ =	shalt  }
0x42: {  	_ =	shalt  }
0x43: {  	_ =	shalt  }
0x44: {  	_ =	shalt  }
0x45: {  	_ =	shalt  }
0x46: {  	_ =	shalt  }
0x47: {  	_ =	shalt  }
0x48: {  	_ =	shalt  }
0x49: {  	_ =	shalt  }
0x4a: {  	_ =	shalt  }
0x4b: {  	_ =	shalt  }
0x4c: {  	_ =	shalt  }
0x4d: {  	_ =	shalt  }
0x4e: {  	_ =	shalt  }
0x4f: {  	_ =	shalt  }
0x50: {  	_ =	shalt  }
0x51: {  	_ =	shalt  }
0x52: {  	_ =	shalt  }
0x53: {  	_ =	shalt  }
0x54: {  	_ =	shalt  }
0x55: {  	_ =	shalt  }
0x56: {  	_ =	shalt  }
0x57: {  	_ =	shalt  }
0x58: {  	_ =	shalt  }
0x59: {  	_ =	shalt  }
0x5a: {  	_ =	shalt  }
0x5b: {  	_ =	shalt  }
0x5c: {  	_ =	shalt  }
0x5d: {  	_ =	shalt  }
0x5e: {  	_ =	shalt  }
0x5f: {  	_ =	shalt  }
0x60: {  	_ =	shalt  }
0x61: {  	_ =	shalt  }
0x62: {  	_ =	shalt  }
0x63: {  	_ =	shalt  }
0x64: {  	_ =	shalt  }
0x65: {  	_ =	shalt  }
0x66: {  	_ =	shalt  }
0x67: {  	_ =	shalt  }
0x68: {  	_ =	shalt  }
0x69: {  	_ =	shalt  }
0x6a: {  	_ =	shalt  }
0x6b: {  	_ =	shalt  }
0x6c: {  	_ =	shalt  }
0x6d: {  	_ =	shalt  }
0x6e: {  	_ =	shalt  }
0x6f: {  	_ =	shalt  }
0x70: {  	_ =	shalt  }
0x71: {  	_ =	shalt  }
0x72: {  	_ =	shalt  }
0x73: {  	_ =	shalt  }
0x74: {  	_ =	shalt  }
0x75: {  	_ =	shalt  }
0x76: {  	_ =	shalt  }
0x77: {  	_ =	shalt  }
0x78: {  	_ =	shalt  }
0x79: {  	_ =	shalt  }
0x7a: {  	_ =	shalt  }
0x7b: {  	_ =	shalt  }
0x7c: {  	_ =	shalt  }
0x7d: {  	_ =	shalt  }
0x7e: {  	_ =	shalt  }
0x7f: {  	_ =	shalt  }
0x80: {  	_ =	shalt  }
0x81: {  	_ =	shalt  }
0x82: {  	_ =	shalt  }
0x83: {  	_ =	shalt  }
0x84: {  	_ =	shalt  }
0x85: {  	_ =	shalt  }
0x86: {  	_ =	shalt  }
0x87: {  	_ =	shalt  }
.Lfunc_end0:
.L_simem_size_0:
called_computation_lowered:
.L_overlay_start_0:
0x88: {  	s2 =	sld [smem:$0x3FD9]  }
0x89: {  	s3 =	sld [smem:$0x3FFE];
	_ =	sdelay $0x1  }
0x8a: {  	s1 =	srdreg.scid  }
0x8b: {  	s0 =	sand.u32 $0x1, s1  }
0x8c: {  	s17 =	sshll.u32 s0, $0xA;
	s2 =	sadd.s32 s3, s2  }
0x8d: {  	s2 =	sadd.s32 s2, s17  }
0x8e: {  	[smem:$0x3FC1] =	sst s2  }
0x8f: {  	_ = 	snop  }
0x90: {  	s2 =	sld [smem:$0x3FC9]  }
0x91: {  	s18 =	sld [smem:$0x3FC4]  }
0x92: {  	s4 =	sld [smem:$0x3FC3]  }
0x93: {  	s5 =	sld [smem:$0x3FD0];
	(tm) =	ssettm $0x1  }
0x94: {  	s6 =	sld [smem:$0x3FFB];
	_ =	sdelay $0x3  }
0x95: {  	_ =	strace s6  }
0x96: {  	s6 =	sld [smem:$0x3FFC];
	_ =	sdelay $0x3  }
0x97: {  	_ =	strace s6  }
0x98: {  	s6 =	sld [smem:$0x3FFD];
	_ =	sdelay $0x3  }
0x99: {  	_ =	strace s6  }
0x9a: {  	_ =	strace $0x8FFFFFFF  }
0x9b: {  	s19 =	sld [smem:$0x3FDB];
	_ =	sdelay $0x1  }
0x9c: {  	s7 =	simm.s32 $_scs_section_size  }
0x9d: {  	s8 =	simm.s32 $_size__tile_overlayer_lowered;
	s9 =	simm.s32 $_tile_overlayer_lowered  }
0x9e: {  	s22 =	simm.s32 $0x1BFF;
	s21 =	sshll.u32 s9, $0x1;
	s6 =	sadd.s32 s7, s19  }
0x9f: {  	s10 =	simm.s32 $0x0;
	s20 =	sshll.u32 s8, $0x1;
	s8 =	sadd.s32 s21, s6  }
0xa0: {  	[timem:s10], [sflag:s22] =	dma.local [hbm:s8], s20  }
0xa1: {  	_ =	swait.ge [sflag:s22], s20  }
0xa2: {  	s7 =	ssub.s32 $0x0, s20;
	[sflag:s22] =	ssyncset.done $0x0  }
0xa3: {  	[sflag:s22] =	ssyncadd.s32 s7;
	_ =	sdelay $0x1  }
0xa4: {  	s23 =	simm.s32 $0x1B8B  }
0xa5: {  	_ =	swait.ge [sflag:s23], $0x1  }
0xa6: {  	[sflag:s23] =	ssyncset.done $0x0  }
0xa7: {  	s25 =	simm.s32 $0x1B8E;
	s24 =	sld [smem:$0x3FFE];
	[sflag:s23] =	ssyncadd.s32 $0xFFFFFFFF  }
0xa8: {  	s26 =	simm.s32 $execute0_lowered;
	[smem:$0x3FD2] =	sst s25  }
0xa9: {  	s8 =	sshll.u32 s26, $0x1;
	_ =	strace $0x80000046;
	[dreg:$0x1] =	wrdreg $0xFFFFFFFF  }
0xaa: {  	s28 =	simm.s32 $_size_execute0_lowered;
	s6 =	sadd.s32 s6, s8;
	[dreg:$0x0] =	wrdreg $0x0  }
0xab: {  	s8 =	sshll.u32 s28, $0x1;
	[dreg:$0x2] =	wrdreg s6  }
0xac: {  	[dreg:$0x3] =	wrdreg s8  }
0xad: {  	[dreg:$0x4] =	wrdreg $0xC0  }
0xae: {  	_ =	task [dreg:s10], $0x5FFFF  }
0xaf: {  	[dreg:$0x1] =	wrdreg $0xFFFFFFFF  }
0xb0: {  	[dreg:$0x0] =	wrdreg $0x60  }
0xb1: {  	[dreg:$0x2] =	wrdreg s2  }
0xb2: {  	[dreg:$0x3] =	wrdreg s24  }
0xb3: {  	[dreg:$0x4] =	wrdreg s18  }
0xb4: {  	[dreg:$0x5] =	wrdreg s4  }
0xb5: {  	[dreg:$0x6] =	wrdreg s5  }
0xb6: {  	[dreg:$0x7] =	wrdreg $0x9  }
0xb7: {  	_ =	task.clear_ibuf [dreg:s10], $0x8FFFF;
	_ =	strace $0x90000046  }
0xb8: {  	s29 =	simm.s32 $0x9;
	_ =	strace $0x80000048  }
0xb9: {  	_ =	swait.ge [sflag:s29], $0x1  }
0xba: {  	[sflag:s29] =	ssyncadd.s32 $0xFFFFFFFF  }
0xbb: {  	_ =	strace $0x90000048  }
0xbc: {  	_ =	sfence  }
0xbd: {  	s30 =	sld [smem:$0x0];
	_ =	sdelay $0x2  }
0xbe: {  	s31 =	sshll.u32 s1, $0xD;
	s1 =	sshrl.u32 s1, $0x2  }
0xbf: {  	s3 =	sand.u32 $0x4000, s31;
	s1 =	sadd.s32 s1, s30  }
0xc0: {  	s0 =	sor.u32 s3, s0;
	s1 =	sshll.u32 s1, $0x11  }
0xc1: {  	s0 =	sor.u32 s1, s0  }
0xc2: {  	s0 =	sadd.s32 $0x8F2B, s0  }
0xc3: {  	[sflag:s0] =	ssyncadd.remote.s32 $0x1  }
0xc4: {  	_ =	sfence.sel $0xFFFF  }
0xc5: {  	[dreg:$0x0] =	wrdreg $0xFFFFFFFF;
	(pc) =	sbr.abs _section_cstart, $3  }
0xc6: {  	[dreg:$0x1] =	wrdreg $0xFFFFFFFF  }
0xc7: {  	_ =	task.clear_ibuf [dreg:s10], $0x2FFFF;
	_ =	strace $0x9FFFFFFF  }
0xc8: {  	(tm) =	ssettm $0x7FFFFFFF  }
0xc9: {  	_ =	shalt  }
tec
execute0_lowered:
.L_overlay_start_1:
0x0: {  	(tag) =	ssettag $0x1  }
0x1: {  	s0 =	rddreg [dreg:$0x1]  }
0x2: {  	s2 =	rddreg [dreg:$0x2]  }
0x3: {  	s3 =	rddreg [dreg:$0x3];
	s1 =	simm.s32 $0x0;
	s30 =	srdreg.scid  }
0x4: {  	s5 =	stileid.u32;
	s24 =	simm.s32 $0x3;
	s25 =	simm.s32 $0x10080  }
0x5: {  	s26 =	simm.s32 $0x1;
	[smem:$0x7FF] =	sst s1;
	s1 =	sand.u32 $0x1, s30  }
0x6: {  	s7 =	sadd.s32 $0xC00, s0;
	s5 =	sshll.u32 s5, $0xA;
	s9 =	sadd.s32 $0x100, s3  }
0x7: {  	s10 =	sadd.s32 $0x200, s3;
	s11 =	sadd.s32 $0x300, s3;
	s12 =	sadd.s32 $0x400, s3  }
0x8: {  	s13 =	sadd.s32 $0x500, s3;
	s14 =	sadd.s32 $0x600, s3;
	s15 =	sadd.s32 $0x700, s3  }
0x9: {  	s16 =	sadd.s32 $0x100, s2;
	s17 =	sadd.s32 $0x200, s2;
	s18 =	sadd.s32 $0x300, s2  }
0xa: {  	s19 =	sadd.s32 $0x400, s2;
	s20 =	sadd.s32 $0x500, s2;
	s31 =	ssub.s32 $0x2, s1  }
0xb: {  	s21 =	sadd.s32 $0x600, s2;
	s22 =	sadd.s32 $0x700, s2;
	s4 =	sshrl.u32 s31, $0x1  }
0xc: {  	v2 =	vlaneseq.u32;
	_ =	strace $0x80000047;
	s1 =	sshll.u32 s1, $0x9;
	s0 =	ssub.s32 s31, s4  }
0xd: {  	vm0 =	vmmov $0xffff;
	v1 =	vshrl.u32 v2, $0x3;
	s8 =	sor.u32 s1, s5;
	s5 =	simm.s32 $0x2;
	s0 =	smax.u32 s0, $0x1  }
0xe: {  	v0 =	vand.u32 $0x7, v2;
	v2 =	vor.u32 $0x8, v2;
	v1 =	vmul.u32 $0x8, v1;
	s1 =	simm.s32 $0x0;
	s4 =	simm.s32 $0x80;
	[dreg:$0x6] =	wrdreg s0  }
.LBB2_1:
0xf: {  	[dreg:$0x7] =	wrdreg s1;
	s28 =	simm.s32 $0x0  }
.LBB2_2:
0x10: {  	s0 =	sshll.u32 s28, $0x4  }
0x11: {  	s0 =	sadd.s32 s8, s0  }
0x12: {  	s1 =	sshrl.u32 s0, $0x3  }
0x13: {  	s29 =	simm.s32 $0x0;
	s1 =	sadd.s32 s7, s1  }
0x14: {  	[tilespmem:s29], [sflag:$0x3] =	stream.linear.gather [hbm4b:s1+s29], $0x10, $0x38;
	[tilespmem:$0x18080] =	vst v63  }
0x15: {  	_ =	swait.ge [sflag:s24], $0x10  }
0x16: {  	[sflag:s24] =	ssyncset.done $0x0  }
0x17: {  	[sflag:s24] =	ssyncadd.s32 $0xFFFFFFF0  }
0x18: {  	v3 =	vld [tilespmem:$0x0];
	_ =	sdelay $0x4  }
0x19: {  	v4 =	vshll.u32 v3, $0x4  }
0x1a: {  	v3 =	vand.u32 $0x7, v3;
	v4 =	vand.u32 $0xFFFFFF80, v4  }
0x1b: {  	v3 =	vor.u32 v3, v4  }
0x1c: {  	v4 =	vperm.xlane v3, v0;
	_ =	sdelay $0x1  }
0x1d: {  	v4 =	vadd.s32 v1, v4;
	_ =	sdelay $0x4  }
0x1e: {  	[tilespmem:s25], [sflag:$0x2] =	stream.indirect_vreg.gather [hbm4b:s3+s29], $0x80, v4, vm0, $0xb8;
	[tilespmem:$0x18080] =	vst v63  }
0x1f: {  	s23 =	simm.s32 $0x10880  }
0x20: {  	[tilespmem:s23], [sflag:$0x2] =	stream.indirect_vreg.gather [hbm4b:s9+s29], $0x80, v4, vm0, $0xb8;
	[tilespmem:$0x18080] =	vst v63  }
0x21: {  	s6 =	simm.s32 $0x11080  }
0x22: {  	[tilespmem:s6], [sflag:$0x2] =	stream.indirect_vreg.gather [hbm4b:s10+s29], $0x80, v4, vm0, $0xb8;
	[tilespmem:$0x18080] =	vst v63  }
0x23: {  	s23 =	simm.s32 $0x11880  }
0x24: {  	[tilespmem:s23], [sflag:$0x2] =	stream.indirect_vreg.gather [hbm4b:s11+s29], $0x80, v4, vm0, $0xb8;
	[tilespmem:$0x18080] =	vst v63  }
0x25: {  	s6 =	simm.s32 $0x12080  }
0x26: {  	[tilespmem:s6], [sflag:$0x2] =	stream.indirect_vreg.gather [hbm4b:s12+s29], $0x80, v4, vm0, $0xb8;
	[tilespmem:$0x18080] =	vst v63  }
0x27: {  	v3 =	vperm.xlane v3, v2;
	s23 =	simm.s32 $0x12880  }
0x28: {  	[tilespmem:s23], [sflag:$0x2] =	stream.indirect_vreg.gather [hbm4b:s13+s29], $0x80, v4, vm0, $0xb8;
	[tilespmem:$0x18080] =	vst v63  }
0x29: {  	v3 =	vadd.s32 v1, v3;
	s6 =	simm.s32 $0x13080  }
0x2a: {  	[tilespmem:s6], [sflag:$0x2] =	stream.indirect_vreg.gather [hbm4b:s14+s29], $0x80, v4, vm0, $0xb8;
	[tilespmem:$0x18080] =	vst v63  }
0x2b: {  	s23 =	simm.s32 $0x13880  }
0x2c: {  	[tilespmem:s23], [sflag:$0x2] =	stream.indirect_vreg.gather [hbm4b:s15+s29], $0x80, v4, vm0, $0xb8;
	[tilespmem:$0x18080] =	vst v63  }
0x2d: {  	s6 =	simm.s32 $0x14080  }
0x2e: {  	[tilespmem:s6], [sflag:$0x2] =	stream.indirect_vreg.gather [hbm4b:s3+s29], $0x80, v3, vm0, $0xb8;
	[tilespmem:$0x18080] =	vst v63  }
0x2f: {  	s23 =	simm.s32 $0x14880  }
0x30: {  	[tilespmem:s23], [sflag:$0x2] =	stream.indirect_vreg.gather [hbm4b:s9+s29], $0x80, v3, vm0, $0xb8;
	[tilespmem:$0x18080] =	vst v63  }
0x31: {  	s6 =	simm.s32 $0x15080  }
0x32: {  	[tilespmem:s6], [sflag:$0x2] =	stream.indirect_vreg.gather [hbm4b:s10+s29], $0x80, v3, vm0, $0xb8;
	[tilespmem:$0x18080] =	vst v63  }
0x33: {  	s23 =	simm.s32 $0x15880  }
0x34: {  	[tilespmem:s23], [sflag:$0x2] =	stream.indirect_vreg.gather [hbm4b:s11+s29], $0x80, v3, vm0, $0xb8;
	[tilespmem:$0x18080] =	vst v63  }
0x35: {  	s6 =	simm.s32 $0x16080  }
0x36: {  	[tilespmem:s6], [sflag:$0x2] =	stream.indirect_vreg.gather [hbm4b:s12+s29], $0x80, v3, vm0, $0xb8;
	[tilespmem:$0x18080] =	vst v63  }
0x37: {  	s23 =	simm.s32 $0x16880  }
0x38: {  	[tilespmem:s23], [sflag:$0x2] =	stream.indirect_vreg.gather [hbm4b:s13+s29], $0x80, v3, vm0, $0xb8;
	[tilespmem:$0x18080] =	vst v63  }
0x39: {  	s6 =	simm.s32 $0x17080  }
0x3a: {  	[tilespmem:s6], [sflag:$0x2] =	stream.indirect_vreg.gather [hbm4b:s14+s29], $0x80, v3, vm0, $0xb8;
	[tilespmem:$0x18080] =	vst v63  }
0x3b: {  	s23 =	simm.s32 $0x17880  }
0x3c: {  	[tilespmem:s23], [sflag:$0x2] =	stream.indirect_vreg.gather [hbm4b:s15+s29], $0x80, v3, vm0, $0xb8;
	[tilespmem:$0x18080] =	vst v63  }
0x3d: {  	v3 =	vld [tilespmem:$0x0];
	_ =	sdelay $0x4  }
0x3e: {  	v51 =	vshll.u32 v3, $0x4  }
0x3f: {  	v3 =	vand.u32 $0x7, v3;
	v4 =	vand.u32 $0xFFFFFF80, v51  }
0x40: {  	v3 =	vor.u32 v3, v4  }
0x41: {  	v4 =	vperm.xlane v3, v0;
	_ =	sdelay $0x1  }
0x42: {  	v4 =	vadd.s32 v1, v4;
	_ =	sdelay $0x3  }
0x43: {  	s6 =	simm.s32 $0x8080  }
0x44: {  	[tilespmem:s6], [sflag:$0x1] =	stream.indirect_vreg.gather [hbm4b:s2+s29], $0x80, v4, vm0, $0xb8;
	[tilespmem:$0x18080] =	vst v63  }
0x45: {  	s23 =	simm.s32 $0x8880  }
0x46: {  	[tilespmem:s23], [sflag:$0x1] =	stream.indirect_vreg.gather [hbm4b:s16+s29], $0x80, v4, vm0, $0xb8;
	[tilespmem:$0x18080] =	vst v63  }
0x47: {  	s6 =	simm.s32 $0x9080  }
0x48: {  	[tilespmem:s6], [sflag:$0x1] =	stream.indirect_vreg.gather [hbm4b:s17+s29], $0x80, v4, vm0, $0xb8;
	[tilespmem:$0x18080] =	vst v63  }
0x49: {  	s23 =	simm.s32 $0x9880  }
0x4a: {  	[tilespmem:s23], [sflag:$0x1] =	stream.indirect_vreg.gather [hbm4b:s18+s29], $0x80, v4, vm0, $0xb8;
	[tilespmem:$0x18080] =	vst v63  }
0x4b: {  	s6 =	simm.s32 $0xA080  }
0x4c: {  	[tilespmem:s6], [sflag:$0x1] =	stream.indirect_vreg.gather [hbm4b:s19+s29], $0x80, v4, vm0, $0xb8;
	[tilespmem:$0x18080] =	vst v63  }
0x4d: {  	v3 =	vperm.xlane v3, v2;
	s23 =	simm.s32 $0xA880  }
0x4e: {  	[tilespmem:s23], [sflag:$0x1] =	stream.indirect_vreg.gather [hbm4b:s20+s29], $0x80, v4, vm0, $0xb8;
	[tilespmem:$0x18080] =	vst v63  }
0x4f: {  	v3 =	vadd.s32 v1, v3;
	s6 =	simm.s32 $0xB080  }
0x50: {  	[tilespmem:s6], [sflag:$0x1] =	stream.indirect_vreg.gather [hbm4b:s21+s29], $0x80, v4, vm0, $0xb8;
	[tilespmem:$0x18080] =	vst v63  }
0x51: {  	s23 =	simm.s32 $0xB880  }
0x52: {  	[tilespmem:s23], [sflag:$0x1] =	stream.indirect_vreg.gather [hbm4b:s22+s29], $0x80, v4, vm0, $0xb8;
	[tilespmem:$0x18080] =	vst v63  }
0x53: {  	s6 =	simm.s32 $0xC080  }
0x54: {  	[tilespmem:s6], [sflag:$0x1] =	stream.indirect_vreg.gather [hbm4b:s2+s29], $0x80, v3, vm0, $0xb8;
	[tilespmem:$0x18080] =	vst v63  }
0x55: {  	s23 =	simm.s32 $0xC880  }
0x56: {  	[tilespmem:s23], [sflag:$0x1] =	stream.indirect_vreg.gather [hbm4b:s16+s29], $0x80, v3, vm0, $0xb8;
	[tilespmem:$0x18080] =	vst v63  }
0x57: {  	s6 =	simm.s32 $0xD080  }
0x58: {  	[tilespmem:s6], [sflag:$0x1] =	stream.indirect_vreg.gather [hbm4b:s17+s29], $0x80, v3, vm0, $0xb8;
	[tilespmem:$0x18080] =	vst v63  }
0x59: {  	s23 =	simm.s32 $0xD880  }
0x5a: {  	[tilespmem:s23], [sflag:$0x1] =	stream.indirect_vreg.gather [hbm4b:s18+s29], $0x80, v3, vm0, $0xb8;
	[tilespmem:$0x18080] =	vst v63  }
0x5b: {  	s6 =	simm.s32 $0xE080  }
0x5c: {  	[tilespmem:s6], [sflag:$0x1] =	stream.indirect_vreg.gather [hbm4b:s19+s29], $0x80, v3, vm0, $0xb8;
	[tilespmem:$0x18080] =	vst v63  }
0x5d: {  	s23 =	simm.s32 $0xE880  }
0x5e: {  	[tilespmem:s23], [sflag:$0x1] =	stream.indirect_vreg.gather [hbm4b:s20+s29], $0x80, v3, vm0, $0xb8;
	[tilespmem:$0x18080] =	vst v63  }
0x5f: {  	s6 =	simm.s32 $0xF080  }
0x60: {  	[tilespmem:s6], [sflag:$0x1] =	stream.indirect_vreg.gather [hbm4b:s21+s29], $0x80, v3, vm0, $0xb8;
	[tilespmem:$0x18080] =	vst v63  }
0x61: {  	s30 =	sshll.u32 s0, $0x8;
	s1 =	rddreg [dreg:$0x0];
	s23 =	simm.s32 $0xF880  }
0x62: {  	[tilespmem:s23], [sflag:$0x1] =	stream.indirect_vreg.gather [hbm4b:s22+s29], $0x80, v3, vm0, $0xb8;
	[tilespmem:$0x18080] =	vst v63  }
0x63: {  	s0 =	sadd.s32 s1, s30  }
0x64: {  	[tilespmem:s4], [sflag:$0x3] =	stream.linear.gather [hbm4b:s0+s29], $0x8000, $0x38;
	[tilespmem:$0x18080] =	vst v63  }
0x65: {  	_ =	swait.ge [sflag:s24], $0x8000  }
0x66: {  	[sflag:s24] =	ssyncset.done $0x0  }
0x67: {  	[sflag:s24] =	ssyncadd.s32 $0xFFFF8000  }
0x68: {  	_ =	swait.ge [sflag:s5], $0x8000  }
0x69: {  	[sflag:s5] =	ssyncset.done $0x0  }
0x6a: {  	[sflag:s5] =	ssyncadd.s32 $0xFFFF8000  }
0x6b: {  	_ =	swait.ge [sflag:s26], $0x8000  }
0x6c: {  	s6 =	sand.u32 $0x70, s29;
	s23 =	sand.u32 $0x3C00, s29;
	[sflag:s26] =	ssyncset.done $0x0  }
0x6d: {  	s31 =	sor.u32 s6, s23;
	[sflag:s26] =	ssyncadd.s32 $0xFFFF8000  }
0x6e: {  	v3 =	vld [tilespmem:s31+$0x10300]  }
0x6f: {  	v52 =	vld [tilespmem:s31+$0x10200]  }
0x70: {  	v5 =	vld [tilespmem:s31+$0x10100]  }
0x71: {  	v6 =	vld [tilespmem:s31+$0x10180]  }
0x72: {  	v7 =	vld [tilespmem:s31+$0x10080]  }
0x73: {  	v8 =	vld [tilespmem:s31+$0x8300]  }
0x74: {  	v9 =	vld [tilespmem:s31+$0x100]  }
0x75: {  	v10 =	vld [tilespmem:s31+$0x300]  }
0x76: {  	v11 =	vld [tilespmem:s31+$0x200]  }
0x77: {  	v12 =	vld [tilespmem:s31+$0x8180]  }
0x78: {  	v13 =	vld [tilespmem:s31+$0x8100]  }
0x79: {  	v14 =	vld [tilespmem:s31+$0x8200]  }
0x7a: {  	v15 =	vld [tilespmem:s31+$0x180]  }
0x7b: {  	v16 =	vld [tilespmem:s31+$0x8380]  }
0x7c: {  	v17 =	vld [tilespmem:s31+$0x8080]  }
0x7d: {  	v18 =	vld [tilespmem:s31+$0x80]  }
0x7e: {  	v19 =	vld [tilespmem:s31+$0x8280]  }
0x7f: {  	v54 =	vld [tilespmem:s31+$0x280];
	v8 =	vmul.f32 v8, v10  }
0x80: {  	v53 =	vld [tilespmem:s31+$0x380];
	v9 =	vmul.f32 v13, v9  }
0x81: {  	v58 =	vld [tilespmem:s31+$0x10280];
	v55 =	vmul.f32 v14, v11;
	v3 =	vadd.f32 v8, v3  }
0x82: {  	v56 =	vld [tilespmem:s31+$0x10380];
	v59 =	vmul.f32 v17, v18;
	v5 =	vadd.f32 v9, v5  }
0x83: {  	v57 =	vmul.f32 v12, v15;
	v4 =	vadd.f32 v55, v52;
	[tilespmem:s31+$0x10300] =	vst v3  }
0x84: {  	v62 =	vmul.f32 v19, v54;
	v61 =	vadd.f32 v59, v7;
	[tilespmem:s31+$0x10100] =	vst v5  }
0x85: {  	v60 =	vmul.f32 v16, v53;
	v3 =	vadd.f32 v57, v6;
	[tilespmem:s31+$0x10200] =	vst v4  }
0x86: {  	s1 =	sand.u32 $0x7, s29;
	[tilespmem:s31+$0x10080] =	vst v61;
	v4 =	vadd.f32 v62, v58  }
0x87: {  	s0 =	sshll.u32 s1, $0x4;
	[tilespmem:s31+$0x10180] =	vst v3;
	v3 =	vadd.f32 v60, v56  }
0x88: {  	s23 =	sadd.s32 $0x0, s0;
	[tilespmem:s31+$0x10280] =	vst v4  }
0x89: {  	s6 =	sor.u32 $0x380, s23;
	[tilespmem:s31+$0x10380] =	vst v3  }
0x8a: {  	v3 =	vld [tilespmem:s6+$0x80]  }
0x8b: {  	v4 =	vld [tilespmem:s6+$0x8080];
	_ =	sdelay $0x1  }
0x8c: {  	v63 =	vld [tilespmem:s6+$0x10080];
	_ =	sdelay $0x2  }
0x8d: {  	v3 =	vmul.f32 v4, v3;
	_ =	sdelay $0x1  }
0x8e: {  	v3 =	vadd.f32 v3, v63;
	_ =	sdelay $0x1  }
0x8f: {  	s0 =	simm.s32 $0x10;
	[tilespmem:s6+$0x10080] =	vst v3;
	s6 =	simm.s32 $0x0  }
.LBB2_3:
0x90: {  	p0 =	sne.s32 s0, $0x7F0;
	v3 =	vld [tilespmem:s31+$0x14080];
	s29 =	sadd.s32 $0x80, s29;
	s6 =	sadd.s32 $0x1, s6  }
0x91: {  	s1 =	smov.u32 s0;
	s0 =	sadd.s32 $0x10, s0;
	v4 =	vld [tilespmem:s31+$0xC300]  }
0x92: {  	v5 =	vld [tilespmem:s31+$0x14380]  }
0x93: {  	v6 =	vld [tilespmem:s31+$0xC380]  }
0x94: {  	v7 =	vld [tilespmem:s31+$0x14180]  }
0x95: {  	v8 =	vld [tilespmem:s31+$0x4380]  }
0x96: {  	v9 =	vld [tilespmem:s31+$0x14300]  }
0x97: {  	v10 =	vld [tilespmem:s31+$0xC280]  }
0x98: {  	v11 =	vld [tilespmem:s31+$0x14200]  }
0x99: {  	v12 =	vld [tilespmem:s31+$0xC180]  }
0x9a: {  	v13 =	vld [tilespmem:s31+$0x14280];
	v6 =	vmul.f32 v6, v8  }
0x9b: {  	v8 =	vld [tilespmem:s31+$0x4180]  }
0x9c: {  	v14 =	vld [tilespmem:s31+$0x4300];
	v5 =	vadd.f32 v6, v5  }
0x9d: {  	v6 =	vld [tilespmem:s31+$0xC080]  }
0x9e: {  	v15 =	vld [tilespmem:s31+$0x4280];
	[tilespmem:s31+$0x14380] =	vst v5  }
0x9f: {  	v5 =	vld [tilespmem:s31+$0x4100]  }
0xa0: {  	v8 =	vmul.f32 v12, v8;
	v12 =	vld [tilespmem:s31+$0xC200]  }
0xa1: {  	v16 =	vld [tilespmem:s31+$0x4080];
	v4 =	vmul.f32 v4, v14  }
0xa2: {  	v7 =	vadd.f32 v8, v7;
	v8 =	vld [tilespmem:s31+$0x4200]  }
0xa3: {  	v14 =	vld [tilespmem:s31+$0xC100];
	v10 =	vmul.f32 v10, v15;
	v4 =	vadd.f32 v4, v9  }
0xa4: {  	[tilespmem:s31+$0x14180] =	vst v7  }
0xa5: {  	v7 =	vld [tilespmem:s31+$0x14100];
	v9 =	vadd.f32 v10, v13;
	[tilespmem:s31+$0x14300] =	vst v4  }
0xa6: {  	v4 =	vmul.f32 v6, v16  }
0xa7: {  	v6 =	vmul.f32 v12, v8;
	[tilespmem:s31+$0x14280] =	vst v9  }
0xa8: {  	v3 =	vadd.f32 v4, v3;
	v4 =	vmul.f32 v14, v5  }
0xa9: {  	v5 =	vadd.f32 v6, v11  }
0xaa: {  	[tilespmem:s31+$0x14080] =	vst v3;
	v3 =	vadd.f32 v4, v7  }
0xab: {  	[tilespmem:s31+$0x14200] =	vst v5  }
0xac: {  	s23 =	sor.u32 $0x4380, s23;
	[tilespmem:s31+$0x14100] =	vst v3  }
0xad: {  	v3 =	vld [tilespmem:s23+$0x80]  }
0xae: {  	v4 =	vld [tilespmem:s23+$0x8080]  }
0xaf: {  	v5 =	vld [tilespmem:s23+$0x10080];
	_ =	sdelay $0x1  }
0xb0: {  	s1 =	sand.u32 $0x70, s1;
	s31 =	sand.u32 $0x3C00, s29  }
0xb1: {  	s31 =	sor.u32 s1, s31  }
0xb2: {  	v6 =	vld [tilespmem:s31+$0x10300];
	v3 =	vmul.f32 v4, v3  }
0xb3: {  	v4 =	vld [tilespmem:s31+$0x10200]  }
0xb4: {  	v7 =	vld [tilespmem:s31+$0x10100];
	v3 =	vadd.f32 v3, v5  }
0xb5: {  	v5 =	vld [tilespmem:s31+$0x10180]  }
0xb6: {  	v8 =	vld [tilespmem:s31+$0x10080];
	[tilespmem:s23+$0x10080] =	vst v3  }
0xb7: {  	v3 =	vld [tilespmem:s31+$0x8300]  }
0xb8: {  	v9 =	vld [tilespmem:s31+$0x100]  }
0xb9: {  	v10 =	vld [tilespmem:s31+$0x300]  }
0xba: {  	v11 =	vld [tilespmem:s31+$0x200]  }
0xbb: {  	v12 =	vld [tilespmem:s31+$0x8180]  }
0xbc: {  	v13 =	vld [tilespmem:s31+$0x8100]  }
0xbd: {  	v14 =	vld [tilespmem:s31+$0x8200]  }
0xbe: {  	v15 =	vld [tilespmem:s31+$0x180];
	v3 =	vmul.f32 v3, v10  }
0xbf: {  	v10 =	vld [tilespmem:s31+$0x8380]  }
0xc0: {  	v16 =	vld [tilespmem:s31+$0x8080];
	v3 =	vadd.f32 v3, v6  }
0xc1: {  	v6 =	vld [tilespmem:s31+$0x80];
	v9 =	vmul.f32 v13, v9  }
0xc2: {  	v11 =	vmul.f32 v14, v11;
	v13 =	vld [tilespmem:s31+$0x8280]  }
0xc3: {  	v7 =	vadd.f32 v9, v7;
	v9 =	vmul.f32 v12, v15;
	v12 =	vld [tilespmem:s31+$0x380]  }
0xc4: {  	v4 =	vadd.f32 v11, v4;
	v11 =	vld [tilespmem:s31+$0x280]  }
0xc5: {  	v5 =	vadd.f32 v9, v5;
	v9 =	vld [tilespmem:s31+$0x10380]  }
0xc6: {  	v6 =	vmul.f32 v16, v6;
	v14 =	vld [tilespmem:s31+$0x10280]  }
0xc7: {  	[tilespmem:s31+$0x10300] =	vst v3  }
0xc8: {  	v3 =	vadd.f32 v6, v8;
	[tilespmem:s31+$0x10100] =	vst v7;
	v6 =	vmul.f32 v10, v12  }
0xc9: {  	[tilespmem:s31+$0x10200] =	vst v4;
	v4 =	vmul.f32 v13, v11  }
0xca: {  	s1 =	sand.u32 $0x7, s6;
	[tilespmem:s31+$0x10180] =	vst v5;
	v5 =	vadd.f32 v6, v9  }
0xcb: {  	s1 =	sshll.u32 s1, $0x4;
	[tilespmem:s31+$0x10080] =	vst v3;
	v3 =	vadd.f32 v4, v14  }
0xcc: {  	s23 =	sadd.s32 s1, s29;
	[tilespmem:s31+$0x10380] =	vst v5  }
0xcd: {  	s1 =	sor.u32 $0x380, s23;
	[tilespmem:s31+$0x10280] =	vst v3  }
0xce: {  	v3 =	vld [tilespmem:s1+$0x80]  }
0xcf: {  	v4 =	vld [tilespmem:s1+$0x8080];
	_ =	sdelay $0x1  }
0xd0: {  	v5 =	vld [tilespmem:s1+$0x10080];
	_ =	sdelay $0x2  }
.Ltmp0:
0xd1: {  	v3 =	vmul.f32 v4, v3;
	(pc) =	sbr.rel @p0 .LBB2_3-.Ltmp0, $3  }
0xd2: {  	_ = 	snop  }
0xd3: {  	v3 =	vadd.f32 v3, v5;
	_ =	sdelay $0x1  }
0xd4: {  	[tilespmem:s1+$0x10080] =	vst v3  }
0xd5: {  	v3 =	vld [tilespmem:s31+$0x14080]  }
0xd6: {  	v4 =	vld [tilespmem:s31+$0xC300]  }
0xd7: {  	v5 =	vld [tilespmem:s31+$0x14380]  }
0xd8: {  	v6 =	vld [tilespmem:s31+$0xC380]  }
0xd9: {  	v7 =	vld [tilespmem:s31+$0x4380]  }
0xda: {  	v8 =	vld [tilespmem:s31+$0x14180]  }
0xdb: {  	v9 =	vld [tilespmem:s31+$0x14300]  }
0xdc: {  	v10 =	vld [tilespmem:s31+$0xC280]  }
0xdd: {  	v11 =	vld [tilespmem:s31+$0xC180]  }
0xde: {  	v52 =	vld [tilespmem:s31+$0x4180]  }
0xdf: {  	v12 =	vld [tilespmem:s31+$0x4300]  }
0xe0: {  	v53 =	vld [tilespmem:s31+$0xC080]  }
0xe1: {  	v13 =	vld [tilespmem:s31+$0x4280]  }
0xe2: {  	v14 =	vld [tilespmem:s31+$0x14280]  }
0xe3: {  	v54 =	vld [tilespmem:s31+$0x4100]  }
0xe4: {  	v15 =	vld [tilespmem:s31+$0xC200]  }
0xe5: {  	v16 =	vld [tilespmem:s31+$0x4080]  }
0xe6: {  	v17 =	vld [tilespmem:s31+$0x4200];
	v6 =	vmul.f32 v6, v7  }
0xe7: {  	v55 =	vld [tilespmem:s31+$0xC100];
	v7 =	vmul.f32 v11, v52  }
0xe8: {  	v56 =	vld [tilespmem:s31+$0x14200];
	v4 =	vmul.f32 v4, v12;
	v5 =	vadd.f32 v6, v5  }
0xe9: {  	v58 =	vld [tilespmem:s31+$0x14100];
	v57 =	vmul.f32 v10, v13;
	v7 =	vadd.f32 v7, v8  }
0xea: {  	v4 =	vadd.f32 v4, v9;
	v6 =	vmul.f32 v53, v16;
	[tilespmem:s31+$0x14380] =	vst v5  }
0xeb: {  	v60 =	vmul.f32 v15, v17;
	v59 =	vadd.f32 v57, v14;
	[tilespmem:s31+$0x14180] =	vst v7  }
0xec: {  	v61 =	vmul.f32 v55, v54;
	[tilespmem:s31+$0x14300] =	vst v4;
	v3 =	vadd.f32 v6, v3  }
0xed: {  	v62 =	vadd.f32 v60, v56;
	[tilespmem:s31+$0x14280] =	vst v59  }
0xee: {  	[tilespmem:s31+$0x14080] =	vst v3;
	v3 =	vadd.f32 v61, v58  }
0xef: {  	[tilespmem:s31+$0x14200] =	vst v62  }
0xf0: {  	s0 =	sor.u32 $0x4380, s23;
	[tilespmem:s31+$0x14100] =	vst v3  }
0xf1: {  	v3 =	vld [tilespmem:s0+$0x80]  }
0xf2: {  	v63 =	vld [tilespmem:s0+$0x8080];
	_ =	sdelay $0x1  }
0xf3: {  	v5 =	vld [tilespmem:s0+$0x10080];
	_ =	sdelay $0x2  }
0xf4: {  	v3 =	vmul.f32 v63, v3;
	_ =	sdelay $0x1  }
0xf5: {  	s28 =	sadd.s32 $0x1, s28;
	v3 =	vadd.f32 v3, v5  }
0xf6: {  	p0 =	sne.s32 s28, $0x20;
	s31 =	rddreg [dreg:$0x4]  }
.Ltmp1:
0xf7: {  	s1 =	simm.s32 $0x0;
	[tilespmem:s0+$0x10080] =	vst v3;
	s0 =	sadd.s32 s31, s30;
	(pc) =	sbr.rel @p0 .LBB2_2-.Ltmp1, $4  }
0xf8: {  	[hbm4b:s0+s1] =	stream.linear.scatter [tilespmem:s25], [sflag:$0x3], $0x8000, $0x38;
	[tilespmem:$0x18080] =	vst v63  }
0xf9: {  	_ =	swait.ge [sflag:s24], $0x8000  }
0xfa: {  	[sflag:s24] =	ssyncset.done $0x0  }
0xfb: {  	[sflag:s24] =	ssyncadd.s32 $0xFFFF8000  }
0xfc: {  	s1 =	rddreg [dreg:$0x7]  }
0xfd: {  	s0 =	rddreg [dreg:$0x6];
	s1 =	sadd.s32 $0x1, s1  }
0xfe: {  	p0 =	sne.s32 s1, s0  }
.Ltmp2:
0xff: {  	_ = 	snop;
	(pc) =	sbr.rel @p0 .LBB2_1-.Ltmp2, $1  }
0x100: {  	_ =	sdelay $0x3  }
0x101: {  	_ =	sfence.sel $0x180000  }
0x102: {  	[bflag:$0x0] =	sbarrier.arrive $0xFFFF  }
0x103: {  	_ =	strace $0x90000047  }
0x104: {  	s0 =	stileid.u32;
	[bflag:$0x2] =	sbarrier.arrive $0xFFFF  }
0x105: {  	p0 =	sne.s32 s0, $0x0;
	s0 =	rddreg [dreg:$0x5]  }
0x106: {  	s0 =	sadd.s32 @!p0 $0x100000, s0  }
0x107: {  	[sflag:s0] =	ssyncadd.tile.s32 @!p0 $0x1;
	_ =	shalt  }
.Lfunc_end2:
_tile_overlayer_lowered:
.L_overlay_start_2:
0x108: {  	(tag) =	ssettag $0x2  }
0x109: {  	s0 =	rddreg [dreg:$0x0];
	s2 =	stileid.u32  }
0x10a: {  	s1 =	rddreg [dreg:$0x1];
	p0 =	sne.s32 s2, $0x0  }
0x10b: {  	s3 =	rddreg [dreg:$0x2];
	[bflag:$0x3] =	sbarrier.arrive $0xFFFF;
	s2 =	simm.s32 @!p0 $0x1C03  }
0x10c: {  	[timem:s3], [sflag:s2] =	dma.local @!p0 [hbm:s0], s1  }
0x10d: {  	s0 =	simm.s32 @!p0 $0x3  }
0x10e: {  	_ =	swait.ge @!p0 [sflag:s0], s1  }
0x10f: {  	s1 =	ssub.s32 @!p0 $0x0, s1;
	[sflag:s0] =	ssyncset.done @!p0 $0x0  }
0x110: {  	[sflag:s0] =	ssyncadd.s32 @!p0 s1  }
0x111: {  	[bflag:$0x3] =	sbarrier.arrive $0xFFFF  }
0x112: {  	_ =	shalt  }

</sc_bundles>
